<compile_context>
chip_gen: v7x
topology: tpu7x:2x2x1
jax: 0.10.2.dev20260603
libtpu: 0.0.44.dev20260713+nightly
codegen_flags: <defaults>
</compile_context>

<pallas_src>
import functools

import jax
import jax.numpy as jnp
from jax import lax
from jax.experimental import pallas as pl
from jax.experimental.pallas import tpu as pltpu
from jax.experimental.pallas import tpu_sc as plsc

NUM_K = 8192
DIM = 256
NUM_N = 16384
HALF = NUM_N // 2
TN = 512
STEPS = HALF // TN
KT = 4
KW = NUM_K // KT

SC_CORES = 2
SC_SUBCORES = 16
SC_WORKERS = SC_CORES * SC_SUBCORES
ROWS_PER_W = HALF // SC_WORKERS
GCHUNK = 128
NCHUNK = ROWS_PER_W // GCHUNK


def _dist_body(z_ref, et2_ref, esq_ref, zsq_ref, idx_ref, acc_ref, counts_ref,
               accs_ref):
    i = pl.program_id(0)

    @pl.when(i == 0)
    def _init():
        counts_ref[...] = jnp.zeros((1, NUM_K), jnp.float32)
        accs_ref[0] = 0.0

    z = z_ref[...]
    z_sq = zsq_ref[...]

    dists = []
    lvs = []
    for kt in range(KT):
        et2_t = et2_ref[:, kt * KW:(kt + 1) * KW]
        s2 = lax.dot_general(z, et2_t, (((1,), (0,)), ((), ())),
                             preferred_element_type=jnp.float32)
        d2 = (z_sq + esq_ref[:, kt * KW:(kt + 1) * KW]) - s2
        dist = jnp.sqrt(jnp.clip(d2, 0.0, None))
        dists.append(dist)
        lvs.append(jnp.min(dist, axis=1, keepdims=True))

    minv = lvs[0]
    for kt in range(1, KT):
        minv = jnp.minimum(minv, lvs[kt])

    kio = lax.broadcasted_iota(jnp.int32, (TN, KW), 1)
    idxs = jnp.full((TN, 1), NUM_K, jnp.int32)
    for kt in range(KT):
        ci = jnp.min(jnp.where(dists[kt] == minv, kio, KW),
                     axis=1, keepdims=True)
        ci = jnp.where(ci == KW, NUM_K, ci + kt * KW)
        idxs = jnp.minimum(idxs, ci)
    idx_ref[...] = idxs

    accs_ref[0] += jnp.sum(minv * minv)
    for kt in range(KT):
        loc = idxs - kt * KW
        counts_ref[:, kt * KW:(kt + 1) * KW] += jnp.sum(
            (loc == kio).astype(jnp.float32), axis=0, keepdims=True)

    @pl.when(i == STEPS - 1)
    def _fini():
        acc_ref[...] = accs_ref[0] * jnp.ones((1, 1), jnp.float32)


def _dist_call(z_e, et2, esq, zsq):
    return pl.pallas_call(
        _dist_body,
        grid=(STEPS,),
        in_specs=[
            pl.BlockSpec((TN, DIM), lambda i: (i, 0)),
            pl.BlockSpec((DIM, NUM_K), lambda i: (0, 0)),
            pl.BlockSpec((1, NUM_K), lambda i: (0, 0)),
            pl.BlockSpec((TN, 1), lambda i: (i, 0)),
        ],
        out_specs=[
            pl.BlockSpec((TN, 1), lambda i: (i, 0)),
            pl.BlockSpec((1, 1), lambda i: (0, 0)),
            pl.BlockSpec((1, NUM_K), lambda i: (0, 0)),
        ],
        out_shape=[
            jax.ShapeDtypeStruct((HALF, 1), jnp.int32),
            jax.ShapeDtypeStruct((1, 1), jnp.float32),
            jax.ShapeDtypeStruct((1, NUM_K), jnp.float32),
        ],
        scratch_shapes=[
            pltpu.SMEM((1,), jnp.float32),
        ],
        compiler_params=pltpu.CompilerParams(
            dimension_semantics=("arbitrary",)),
    )(z_e, et2, esq, zsq)


def _gather_body(e_hbm, idx_hbm, out_hbm, idx_c, rows_v, sem):
    c = lax.axis_index("c")
    s = lax.axis_index("s")
    wid = s * SC_CORES + c
    base = wid * ROWS_PER_W
    for j in range(NCHUNK):
        off = base + j * GCHUNK
        pltpu.sync_copy(idx_hbm.at[pl.ds(off, GCHUNK)], idx_c)
        pltpu.async_copy(e_hbm.at[idx_c], rows_v, sem).wait()
        pltpu.sync_copy(rows_v, out_hbm.at[pl.ds(off, GCHUNK)])


def _gather_call(embeddings, indices):
    mesh = plsc.VectorSubcoreMesh(core_axis_name="c", subcore_axis_name="s")
    k = functools.partial(
        pl.kernel,
        mesh=mesh,
        out_type=jax.ShapeDtypeStruct((HALF, DIM), jnp.float32),
        scratch_types=[
            pltpu.VMEM((GCHUNK,), jnp.int32),
            pltpu.VMEM((GCHUNK, DIM), jnp.float32),
            pltpu.SemaphoreType.DMA,
        ],
    )(_gather_body)
    return k(embeddings, indices)


def _fin_body(ca_ref, cb_ref, aa_ref, ab_ref, loss_ref, perp_ref):
    acc = aa_ref[...] + ab_ref[...]
    loss_ref[...] = 0.1 * (acc / (NUM_N * DIM))
    counts = ca_ref[...] + cb_ref[...]
    p = counts / float(NUM_N)
    ent = jnp.sum(p * jnp.log(p + 1e-10), axis=1, keepdims=True)
    perp_ref[...] = jnp.exp(-ent)


def _fin_call(ca, cb, aa, ab):
    return pl.pallas_call(
        _fin_body,
        out_shape=[
            jax.ShapeDtypeStruct((1, 1), jnp.float32),
            jax.ShapeDtypeStruct((1, 1), jnp.float32),
        ],
    )(ca, cb, aa, ab)


def kernel(z_e, embeddings):
    et2 = (embeddings + embeddings).T
    esq = jnp.sum(embeddings * embeddings, axis=1)[None, :]
    zsq = jnp.sum(z_e * z_e, axis=1, keepdims=True)
    idx_a, acc_a, cnt_a = _dist_call(z_e[:HALF], et2, esq, zsq[:HALF])
    zq_a = _gather_call(embeddings, idx_a.reshape(HALF))
    idx_b, acc_b, cnt_b = _dist_call(z_e[HALF:], et2, esq, zsq[HALF:])
    zq_b = _gather_call(embeddings, idx_b.reshape(HALF))
    loss, perp = _fin_call(cnt_a, cnt_b, acc_a, acc_b)
    indices = jnp.concatenate([idx_a.reshape(HALF), idx_b.reshape(HALF)])
    z_q = jnp.concatenate([zq_a, zq_b], axis=0)
    return z_q, indices, loss[0, 0], perp[0, 0]

# --- scband reference (transcript-rebuilt; emitter-appended) ---
"""Pipeline reference for scband-emavector-quantizer-12979391169318 (READ-ONLY COPY).

The authoritative reference and input builder live on the scoring server;
editing this copy changes nothing except your own understanding.
"""

import jax, jax.numpy as jnp
import numpy as np

NUM_CODES = 8192
EMBED_DIM = 256
N_TOKENS = 16384


def setup_inputs(seed: int = 0) -> dict:
    key = jax.random.key(seed)
    k1, k2 = jax.random.split(key)
    z_e = jax.random.normal(k1, (N_TOKENS, EMBED_DIM), dtype=jnp.float32)
    embeddings = jax.random.normal(k2, (NUM_CODES, EMBED_DIM), dtype=jnp.float32)
    return {"z_e": z_e, "embeddings": embeddings}


def reference(z_e, embeddings):
    # torch.cdist(z_e, embeddings): Euclidean distance matrix [N, K]
    z_sq = jnp.sum(z_e * z_e, axis=1, keepdims=True)            # [N, 1]
    e_sq = jnp.sum(embeddings * embeddings, axis=1)[None, :]    # [1, K]
    d2 = z_sq + e_sq - 2.0 * (z_e @ embeddings.T)               # [N, K]
    distances = jnp.sqrt(jnp.clip(d2, 0.0, None))
    indices = jnp.argmin(distances, axis=-1)                    # [N]
    # F.embedding(indices, embeddings)
    z_q = jnp.take(embeddings, indices, axis=0)                 # [N, D]
    # eval mode + not kmeans-initialized -> no EMA buffer update branch
    commitment_loss = 0.1 * jnp.mean((jax.lax.stop_gradient(z_q) - z_e) ** 2)
    # straight-through estimator
    z_q_st = z_e + jax.lax.stop_gradient(z_q - z_e)
    # perplexity from one-hot encodings mean
    counts = jnp.bincount(indices, length=NUM_CODES).astype(jnp.float32)
    avg_probs = counts / z_e.shape[0]
    perplexity = jnp.exp(-jnp.sum(avg_probs * jnp.log(avg_probs + 1e-10)))
    return (z_q_st, indices, commitment_loss, perplexity)

if __name__ == "__main__":
    import jax
    _d = setup_inputs()
    print(jax.jit(kernel)(*tuple(_d.values())))

</pallas_src>

<mosaic_0001>
#map = affine_map<(d0, d1) -> (0, 0)>
#map1 = affine_map<(d0, d1) -> (0)>
module attributes {stable_mosaic.version = 14 : i64} {
  func.func @_gather_body(%arg0: i32, %arg1: i32, %arg2: memref<8192x256xf32, #tpu.memory_space<hbm>>, %arg3: memref<8192xi32, #tpu.memory_space<hbm>>, %arg4: memref<8192x256xf32, #tpu.memory_space<hbm>>, %arg5: memref<128xi32, #tpu.memory_space<vmem>>, %arg6: memref<128x256xf32, #tpu.memory_space<vmem>>, %arg7: memref<!tpu.dma_semaphore, #tpu.memory_space<semaphore_mem>>) attributes {dimension_semantics = [#tpu.dimension_semantics<core_parallel>, #tpu.dimension_semantics<subcore_parallel>], iteration_bounds = array<i64: 2, 16>, scalar_prefetch = 0 : i64, scratch_operands = 3 : i64, tpu.core_type = #tpu.core_type<sc_vector_subcore>, window_params = [{transform_indices = #map}, {transform_indices = #map1}, {transform_indices = #map}]} {
    %mul3A = arith.constant 2 : i32
    %mul3A_0 = arith.muli %arg1, %mul3A : i32
    %add3A = arith.addi %mul3A_0, %arg0 : i32
    %mul3A_1 = arith.constant 256 : i32
    %mul3A_2 = arith.muli %add3A, %mul3A_1 : i32
    %add3A_3 = arith.constant 0 : i32
    %add3A_4 = arith.addi %mul3A_2, %add3A_3 : i32
    "tpu.region"() ({
      %run_scoped3A = tpu.sem_alloc : memref<!tpu.dma_semaphore, #tpu.memory_space<semaphore_mem>>
      %dma_start3A_17 = tpu.memref_slice %arg3[%add3A_4] : memref<8192xi32, #tpu.memory_space<hbm>> -> memref<128xi32, #tpu.memory_space<hbm>>
      %dma_start3A_18 = tpu.memref_slice %arg3[%add3A_4] : memref<8192xi32, #tpu.memory_space<hbm>> -> memref<128xi32, #tpu.memory_space<hbm>>
      tpu.enqueue_dma source(%dma_start3A_18 : memref<128xi32, #tpu.memory_space<hbm>>) target(%arg5 : memref<128xi32, #tpu.memory_space<vmem>>) target_semaphore(%run_scoped3A : memref<!tpu.dma_semaphore, #tpu.memory_space<semaphore_mem>>)
      %dma_wait3A_19 = tpu.memref_slice %arg3[%add3A_4] : memref<8192xi32, #tpu.memory_space<hbm>> -> memref<128xi32, #tpu.memory_space<hbm>>
      %dma_wait3A_20 = tpu.memref_slice %arg3[%add3A_4] : memref<8192xi32, #tpu.memory_space<hbm>> -> memref<128xi32, #tpu.memory_space<hbm>>
      tpu.wait_dma2 semaphore(%run_scoped3A : memref<!tpu.dma_semaphore, #tpu.memory_space<semaphore_mem>>) src(%dma_wait3A_20 : memref<128xi32, #tpu.memory_space<hbm>>) dst(%arg5 : memref<128xi32, #tpu.memory_space<vmem>>)
      tpu.yield
    }) : () -> ()
    %dma_start3A = arith.constant 0 : i32
    %dma_start3A_5 = arith.constant 0 : i32
    %dma_start3A_6 = tpu.memref_slice %arg2[%dma_start3A, %dma_start3A_5] : memref<8192x256xf32, #tpu.memory_space<hbm>> -> memref<8192x256xf32, #tpu.memory_space<hbm>>
    tpu.enqueue_indirect_dma source(%dma_start3A_6 : memref<8192x256xf32, #tpu.memory_space<hbm>>) target(%arg6 : memref<128x256xf32, #tpu.memory_space<vmem>>) offsets(%arg5 : memref<128xi32, #tpu.memory_space<vmem>>) semaphore(%arg7 : memref<!tpu.dma_semaphore, #tpu.memory_space<semaphore_mem>>)
    %dma_wait3A = arith.constant 0 : i32
    %dma_wait3A_7 = arith.constant 0 : i32
    %dma_wait3A_8 = tpu.memref_slice %arg2[%dma_wait3A, %dma_wait3A_7] : memref<8192x256xf32, #tpu.memory_space<hbm>> -> memref<8192x256xf32, #tpu.memory_space<hbm>>
    tpu.wait_indirect_dma semaphore(%arg7 : memref<!tpu.dma_semaphore, #tpu.memory_space<semaphore_mem>>) src(%dma_wait3A_8 : memref<8192x256xf32, #tpu.memory_space<hbm>>) dst(%arg6 : memref<128x256xf32, #tpu.memory_space<vmem>>)
    "tpu.region"() ({
      %run_scoped3A = tpu.sem_alloc : memref<!tpu.dma_semaphore, #tpu.memory_space<semaphore_mem>>
      %dma_start3A_17 = arith.constant 0 : i32
      %dma_start3A_18 = tpu.memref_slice %arg4[%add3A_4, %dma_start3A_17] : memref<8192x256xf32, #tpu.memory_space<hbm>> -> memref<128x256xf32, #tpu.memory_space<hbm>>
      %dma_start3A_19 = arith.constant 0 : i32
      %dma_start3A_20 = tpu.memref_slice %arg4[%add3A_4, %dma_start3A_19] : memref<8192x256xf32, #tpu.memory_space<hbm>> -> memref<128x256xf32, #tpu.memory_space<hbm>>
      tpu.enqueue_dma source(%arg6 : memref<128x256xf32, #tpu.memory_space<vmem>>) target(%dma_start3A_20 : memref<128x256xf32, #tpu.memory_space<hbm>>) target_semaphore(%run_scoped3A : memref<!tpu.dma_semaphore, #tpu.memory_space<semaphore_mem>>)
      %dma_wait3A_21 = arith.constant 0 : i32
      %dma_wait3A_22 = tpu.memref_slice %arg4[%add3A_4, %dma_wait3A_21] : memref<8192x256xf32, #tpu.memory_space<hbm>> -> memref<128x256xf32, #tpu.memory_space<hbm>>
      %dma_wait3A_23 = arith.constant 0 : i32
      %dma_wait3A_24 = tpu.memref_slice %arg4[%add3A_4, %dma_wait3A_23] : memref<8192x256xf32, #tpu.memory_space<hbm>> -> memref<128x256xf32, #tpu.memory_space<hbm>>
      tpu.wait_dma2 semaphore(%run_scoped3A : memref<!tpu.dma_semaphore, #tpu.memory_space<semaphore_mem>>) src(%arg6 : memref<128x256xf32, #tpu.memory_space<vmem>>) dst(%dma_wait3A_24 : memref<128x256xf32, #tpu.memory_space<hbm>>)
      tpu.yield
    }) : () -> ()
    %add3A_9 = arith.constant 128 : i32
    %add3A_10 = arith.addi %mul3A_2, %add3A_9 : i32
    "tpu.region"() ({
      %run_scoped3A = tpu.sem_alloc : memref<!tpu.dma_semaphore, #tpu.memory_space<semaphore_mem>>
      %dma_start3A_17 = tpu.memref_slice %arg3[%add3A_10] : memref<8192xi32, #tpu.memory_space<hbm>> -> memref<128xi32, #tpu.memory_space<hbm>>
      %dma_start3A_18 = tpu.memref_slice %arg3[%add3A_10] : memref<8192xi32, #tpu.memory_space<hbm>> -> memref<128xi32, #tpu.memory_space<hbm>>
      tpu.enqueue_dma source(%dma_start3A_18 : memref<128xi32, #tpu.memory_space<hbm>>) target(%arg5 : memref<128xi32, #tpu.memory_space<vmem>>) target_semaphore(%run_scoped3A : memref<!tpu.dma_semaphore, #tpu.memory_space<semaphore_mem>>)
      %dma_wait3A_19 = tpu.memref_slice %arg3[%add3A_10] : memref<8192xi32, #tpu.memory_space<hbm>> -> memref<128xi32, #tpu.memory_space<hbm>>
      %dma_wait3A_20 = tpu.memref_slice %arg3[%add3A_10] : memref<8192xi32, #tpu.memory_space<hbm>> -> memref<128xi32, #tpu.memory_space<hbm>>
      tpu.wait_dma2 semaphore(%run_scoped3A : memref<!tpu.dma_semaphore, #tpu.memory_space<semaphore_mem>>) src(%dma_wait3A_20 : memref<128xi32, #tpu.memory_space<hbm>>) dst(%arg5 : memref<128xi32, #tpu.memory_space<vmem>>)
      tpu.yield
    }) : () -> ()
    %dma_start3A_11 = arith.constant 0 : i32
    %dma_start3A_12 = arith.constant 0 : i32
    %dma_start3A_13 = tpu.memref_slice %arg2[%dma_start3A_11, %dma_start3A_12] : memref<8192x256xf32, #tpu.memory_space<hbm>> -> memref<8192x256xf32, #tpu.memory_space<hbm>>
    tpu.enqueue_indirect_dma source(%dma_start3A_13 : memref<8192x256xf32, #tpu.memory_space<hbm>>) target(%arg6 : memref<128x256xf32, #tpu.memory_space<vmem>>) offsets(%arg5 : memref<128xi32, #tpu.memory_space<vmem>>) semaphore(%arg7 : memref<!tpu.dma_semaphore, #tpu.memory_space<semaphore_mem>>)
    %dma_wait3A_14 = arith.constant 0 : i32
    %dma_wait3A_15 = arith.constant 0 : i32
    %dma_wait3A_16 = tpu.memref_slice %arg2[%dma_wait3A_14, %dma_wait3A_15] : memref<8192x256xf32, #tpu.memory_space<hbm>> -> memref<8192x256xf32, #tpu.memory_space<hbm>>
    tpu.wait_indirect_dma semaphore(%arg7 : memref<!tpu.dma_semaphore, #tpu.memory_space<semaphore_mem>>) src(%dma_wait3A_16 : memref<8192x256xf32, #tpu.memory_space<hbm>>) dst(%arg6 : memref<128x256xf32, #tpu.memory_space<vmem>>)
    "tpu.region"() ({
      %run_scoped3A = tpu.sem_alloc : memref<!tpu.dma_semaphore, #tpu.memory_space<semaphore_mem>>
      %dma_start3A_17 = arith.constant 0 : i32
      %dma_start3A_18 = tpu.memref_slice %arg4[%add3A_10, %dma_start3A_17] : memref<8192x256xf32, #tpu.memory_space<hbm>> -> memref<128x256xf32, #tpu.memory_space<hbm>>
      %dma_start3A_19 = arith.constant 0 : i32
      %dma_start3A_20 = tpu.memref_slice %arg4[%add3A_10, %dma_start3A_19] : memref<8192x256xf32, #tpu.memory_space<hbm>> -> memref<128x256xf32, #tpu.memory_space<hbm>>
      tpu.enqueue_dma source(%arg6 : memref<128x256xf32, #tpu.memory_space<vmem>>) target(%dma_start3A_20 : memref<128x256xf32, #tpu.memory_space<hbm>>) target_semaphore(%run_scoped3A : memref<!tpu.dma_semaphore, #tpu.memory_space<semaphore_mem>>)
      %dma_wait3A_21 = arith.constant 0 : i32
      %dma_wait3A_22 = tpu.memref_slice %arg4[%add3A_10, %dma_wait3A_21] : memref<8192x256xf32, #tpu.memory_space<hbm>> -> memref<128x256xf32, #tpu.memory_space<hbm>>
      %dma_wait3A_23 = arith.constant 0 : i32
      %dma_wait3A_24 = tpu.memref_slice %arg4[%add3A_10, %dma_wait3A_23] : memref<8192x256xf32, #tpu.memory_space<hbm>> -> memref<128x256xf32, #tpu.memory_space<hbm>>
      tpu.wait_dma2 semaphore(%run_scoped3A : memref<!tpu.dma_semaphore, #tpu.memory_space<semaphore_mem>>) src(%arg6 : memref<128x256xf32, #tpu.memory_space<vmem>>) dst(%dma_wait3A_24 : memref<128x256xf32, #tpu.memory_space<hbm>>)
      tpu.yield
    }) : () -> ()
    return
  }
}

#map = affine_map<(d0, d1) -> (0, 0)>
#map1 = affine_map<(d0, d1) -> (0)>
module attributes {stable_mosaic.version = 14 : i64} {
  func.func @_gather_body(%arg0: i32, %arg1: i32, %arg2: memref<8192x256xf32, #tpu.memory_space<hbm>>, %arg3: memref<8192xi32, #tpu.memory_space<hbm>>, %arg4: memref<8192x256xf32, #tpu.memory_space<hbm>>, %arg5: memref<128xi32, #tpu.memory_space<vmem>>, %arg6: memref<128x256xf32, #tpu.memory_space<vmem>>, %arg7: memref<!tpu.dma_semaphore, #tpu.memory_space<semaphore_mem>>) attributes {dimension_semantics = [#tpu.dimension_semantics<core_parallel>, #tpu.dimension_semantics<subcore_parallel>], iteration_bounds = array<i64: 2, 16>, scalar_prefetch = 0 : i64, scratch_operands = 3 : i64, tpu.core_type = #tpu.core_type<sc_vector_subcore>, window_params = [{transform_indices = #map}, {transform_indices = #map1}, {transform_indices = #map}]} {
    %mul3A = arith.constant 2 : i32
    %mul3A_0 = arith.muli %arg1, %mul3A : i32
    %add3A = arith.addi %mul3A_0, %arg0 : i32
    %mul3A_1 = arith.constant 256 : i32
    %mul3A_2 = arith.muli %add3A, %mul3A_1 : i32
    %add3A_3 = arith.constant 0 : i32
    %add3A_4 = arith.addi %mul3A_2, %add3A_3 : i32
    "tpu.region"() ({
      %run_scoped3A = tpu.sem_alloc : memref<!tpu.dma_semaphore, #tpu.memory_space<semaphore_mem>>
      %dma_start3A_17 = tpu.memref_slice %arg3[%add3A_4] : memref<8192xi32, #tpu.memory_space<hbm>> -> memref<128xi32, #tpu.memory_space<hbm>>
      %dma_start3A_18 = tpu.memref_slice %arg3[%add3A_4] : memref<8192xi32, #tpu.memory_space<hbm>> -> memref<128xi32, #tpu.memory_space<hbm>>
      tpu.enqueue_dma source(%dma_start3A_18 : memref<128xi32, #tpu.memory_space<hbm>>) target(%arg5 : memref<128xi32, #tpu.memory_space<vmem>>) target_semaphore(%run_scoped3A : memref<!tpu.dma_semaphore, #tpu.memory_space<semaphore_mem>>)
      %dma_wait3A_19 = tpu.memref_slice %arg3[%add3A_4] : memref<8192xi32, #tpu.memory_space<hbm>> -> memref<128xi32, #tpu.memory_space<hbm>>
      %dma_wait3A_20 = tpu.memref_slice %arg3[%add3A_4] : memref<8192xi32, #tpu.memory_space<hbm>> -> memref<128xi32, #tpu.memory_space<hbm>>
      tpu.wait_dma2 semaphore(%run_scoped3A : memref<!tpu.dma_semaphore, #tpu.memory_space<semaphore_mem>>) src(%dma_wait3A_20 : memref<128xi32, #tpu.memory_space<hbm>>) dst(%arg5 : memref<128xi32, #tpu.memory_space<vmem>>)
      tpu.yield
    }) : () -> ()
    %dma_start3A = arith.constant 0 : i32
    %dma_start3A_5 = arith.constant 0 : i32
    %dma_start3A_6 = tpu.memref_slice %arg2[%dma_start3A, %dma_start3A_5] : memref<8192x256xf32, #tpu.memory_space<hbm>> -> memref<8192x256xf32, #tpu.memory_space<hbm>>
    tpu.enqueue_indirect_dma source(%dma_start3A_6 : memref<8192x256xf32, #tpu.memory_space<hbm>>) target(%arg6 : memref<128x256xf32, #tpu.memory_space<vmem>>) offsets(%arg5 : memref<128xi32, #tpu.memory_space<vmem>>) semaphore(%arg7 : memref<!tpu.dma_semaphore, #tpu.memory_space<semaphore_mem>>)
    %dma_wait3A = arith.constant 0 : i32
    %dma_wait3A_7 = arith.constant 0 : i32
    %dma_wait3A_8 = tpu.memref_slice %arg2[%dma_wait3A, %dma_wait3A_7] : memref<8192x256xf32, #tpu.memory_space<hbm>> -> memref<8192x256xf32, #tpu.memory_space<hbm>>
    tpu.wait_indirect_dma semaphore(%arg7 : memref<!tpu.dma_semaphore, #tpu.memory_space<semaphore_mem>>) src(%dma_wait3A_8 : memref<8192x256xf32, #tpu.memory_space<hbm>>) dst(%arg6 : memref<128x256xf32, #tpu.memory_space<vmem>>)
    "tpu.region"() ({
      %run_scoped3A = tpu.sem_alloc : memref<!tpu.dma_semaphore, #tpu.memory_space<semaphore_mem>>
      %dma_start3A_17 = arith.constant 0 : i32
      %dma_start3A_18 = tpu.memref_slice %arg4[%add3A_4, %dma_start3A_17] : memref<8192x256xf32, #tpu.memory_space<hbm>> -> memref<128x256xf32, #tpu.memory_space<hbm>>
      %dma_start3A_19 = arith.constant 0 : i32
      %dma_start3A_20 = tpu.memref_slice %arg4[%add3A_4, %dma_start3A_19] : memref<8192x256xf32, #tpu.memory_space<hbm>> -> memref<128x256xf32, #tpu.memory_space<hbm>>
      tpu.enqueue_dma source(%arg6 : memref<128x256xf32, #tpu.memory_space<vmem>>) target(%dma_start3A_20 : memref<128x256xf32, #tpu.memory_space<hbm>>) target_semaphore(%run_scoped3A : memref<!tpu.dma_semaphore, #tpu.memory_space<semaphore_mem>>)
      %dma_wait3A_21 = arith.constant 0 : i32
      %dma_wait3A_22 = tpu.memref_slice %arg4[%add3A_4, %dma_wait3A_21] : memref<8192x256xf32, #tpu.memory_space<hbm>> -> memref<128x256xf32, #tpu.memory_space<hbm>>
      %dma_wait3A_23 = arith.constant 0 : i32
      %dma_wait3A_24 = tpu.memref_slice %arg4[%add3A_4, %dma_wait3A_23] : memref<8192x256xf32, #tpu.memory_space<hbm>> -> memref<128x256xf32, #tpu.memory_space<hbm>>
      tpu.wait_dma2 semaphore(%run_scoped3A : memref<!tpu.dma_semaphore, #tpu.memory_space<semaphore_mem>>) src(%arg6 : memref<128x256xf32, #tpu.memory_space<vmem>>) dst(%dma_wait3A_24 : memref<128x256xf32, #tpu.memory_space<hbm>>)
      tpu.yield
    }) : () -> ()
    %add3A_9 = arith.constant 128 : i32
    %add3A_10 = arith.addi %mul3A_2, %add3A_9 : i32
    "tpu.region"() ({
      %run_scoped3A = tpu.sem_alloc : memref<!tpu.dma_semaphore, #tpu.memory_space<semaphore_mem>>
      %dma_start3A_17 = tpu.memref_slice %arg3[%add3A_10] : memref<8192xi32, #tpu.memory_space<hbm>> -> memref<128xi32, #tpu.memory_space<hbm>>
      %dma_start3A_18 = tpu.memref_slice %arg3[%add3A_10] : memref<8192xi32, #tpu.memory_space<hbm>> -> memref<128xi32, #tpu.memory_space<hbm>>
      tpu.enqueue_dma source(%dma_start3A_18 : memref<128xi32, #tpu.memory_space<hbm>>) target(%arg5 : memref<128xi32, #tpu.memory_space<vmem>>) target_semaphore(%run_scoped3A : memref<!tpu.dma_semaphore, #tpu.memory_space<semaphore_mem>>)
      %dma_wait3A_19 = tpu.memref_slice %arg3[%add3A_10] : memref<8192xi32, #tpu.memory_space<hbm>> -> memref<128xi32, #tpu.memory_space<hbm>>
      %dma_wait3A_20 = tpu.memref_slice %arg3[%add3A_10] : memref<8192xi32, #tpu.memory_space<hbm>> -> memref<128xi32, #tpu.memory_space<hbm>>
      tpu.wait_dma2 semaphore(%run_scoped3A : memref<!tpu.dma_semaphore, #tpu.memory_space<semaphore_mem>>) src(%dma_wait3A_20 : memref<128xi32, #tpu.memory_space<hbm>>) dst(%arg5 : memref<128xi32, #tpu.memory_space<vmem>>)
      tpu.yield
    }) : () -> ()
    %dma_start3A_11 = arith.constant 0 : i32
    %dma_start3A_12 = arith.constant 0 : i32
    %dma_start3A_13 = tpu.memref_slice %arg2[%dma_start3A_11, %dma_start3A_12] : memref<8192x256xf32, #tpu.memory_space<hbm>> -> memref<8192x256xf32, #tpu.memory_space<hbm>>
    tpu.enqueue_indirect_dma source(%dma_start3A_13 : memref<8192x256xf32, #tpu.memory_space<hbm>>) target(%arg6 : memref<128x256xf32, #tpu.memory_space<vmem>>) offsets(%arg5 : memref<128xi32, #tpu.memory_space<vmem>>) semaphore(%arg7 : memref<!tpu.dma_semaphore, #tpu.memory_space<semaphore_mem>>)
    %dma_wait3A_14 = arith.constant 0 : i32
    %dma_wait3A_15 = arith.constant 0 : i32
    %dma_wait3A_16 = tpu.memref_slice %arg2[%dma_wait3A_14, %dma_wait3A_15] : memref<8192x256xf32, #tpu.memory_space<hbm>> -> memref<8192x256xf32, #tpu.memory_space<hbm>>
    tpu.wait_indirect_dma semaphore(%arg7 : memref<!tpu.dma_semaphore, #tpu.memory_space<semaphore_mem>>) src(%dma_wait3A_16 : memref<8192x256xf32, #tpu.memory_space<hbm>>) dst(%arg6 : memref<128x256xf32, #tpu.memory_space<vmem>>)
    "tpu.region"() ({
      %run_scoped3A = tpu.sem_alloc : memref<!tpu.dma_semaphore, #tpu.memory_space<semaphore_mem>>
      %dma_start3A_17 = arith.constant 0 : i32
      %dma_start3A_18 = tpu.memref_slice %arg4[%add3A_10, %dma_start3A_17] : memref<8192x256xf32, #tpu.memory_space<hbm>> -> memref<128x256xf32, #tpu.memory_space<hbm>>
      %dma_start3A_19 = arith.constant 0 : i32
      %dma_start3A_20 = tpu.memref_slice %arg4[%add3A_10, %dma_start3A_19] : memref<8192x256xf32, #tpu.memory_space<hbm>> -> memref<128x256xf32, #tpu.memory_space<hbm>>
      tpu.enqueue_dma source(%arg6 : memref<128x256xf32, #tpu.memory_space<vmem>>) target(%dma_start3A_20 : memref<128x256xf32, #tpu.memory_space<hbm>>) target_semaphore(%run_scoped3A : memref<!tpu.dma_semaphore, #tpu.memory_space<semaphore_mem>>)
      %dma_wait3A_21 = arith.constant 0 : i32
      %dma_wait3A_22 = tpu.memref_slice %arg4[%add3A_10, %dma_wait3A_21] : memref<8192x256xf32, #tpu.memory_space<hbm>> -> memref<128x256xf32, #tpu.memory_space<hbm>>
      %dma_wait3A_23 = arith.constant 0 : i32
      %dma_wait3A_24 = tpu.memref_slice %arg4[%add3A_10, %dma_wait3A_23] : memref<8192x256xf32, #tpu.memory_space<hbm>> -> memref<128x256xf32, #tpu.memory_space<hbm>>
      tpu.wait_dma2 semaphore(%run_scoped3A : memref<!tpu.dma_semaphore, #tpu.memory_space<semaphore_mem>>) src(%arg6 : memref<128x256xf32, #tpu.memory_space<vmem>>) dst(%dma_wait3A_24 : memref<128x256xf32, #tpu.memory_space<hbm>>)
      tpu.yield
    }) : () -> ()
    return
  }
}

module attributes {stable_mosaic.version = 14 : i64} {
  func.func @_dist_body(%arg0: i32, %arg1: memref<512x256xf32, #tpu.memory_space<vmem>>, %arg2: memref<256x8192xf32, #tpu.memory_space<vmem>>, %arg3: memref<1x8192xf32, #tpu.memory_space<vmem>>, %arg4: memref<512x1xf32, #tpu.memory_space<vmem>>, %arg5: memref<512x1xi32, #tpu.memory_space<vmem>>, %arg6: memref<1x1xf32, #tpu.memory_space<vmem>>, %arg7: memref<1x8192xf32, #tpu.memory_space<vmem>>, %arg8: memref<1xf32, #tpu.memory_space<smem>>) attributes {dimension_semantics = [#tpu.dimension_semantics<arbitrary>], iteration_bounds = array<i64: 16>, scalar_prefetch = 0 : i64, scratch_operands = 1 : i64, tpu.core_type = #tpu.core_type<tc>, window_params = [{transform_indices = @transform_0, window_bounds = array<i64: 512, 256>}, {pipeline_mode = #tpu.pipeline_mode<synchronous>, transform_indices = @transform_1, window_bounds = array<i64: 256, 8192>}, {pipeline_mode = #tpu.pipeline_mode<synchronous>, transform_indices = @transform_2, window_bounds = array<i64: 1, 8192>}, {transform_indices = @transform_3, window_bounds = array<i64: 512, 1>}, {transform_indices = @transform_4, window_bounds = array<i64: 512, 1>}, {pipeline_mode = #tpu.pipeline_mode<synchronous>, transform_indices = @transform_5, window_bounds = array<i64: 1, 1>}, {pipeline_mode = #tpu.pipeline_mode<synchronous>, transform_indices = @transform_6, window_bounds = array<i64: 1, 8192>}]} {
    %eq3A = arith.constant 0 : i32
    %eq3A_0 = arith.cmpi eq, %arg0, %eq3A : i32
    %convert_element_type3A = arith.extui %eq3A_0 : i1 to i32
    %cond3A = arith.constant 0 : i32
    %cond3A_1 = arith.cmpi ne, %convert_element_type3A, %cond3A : i32
    scf.if %cond3A_1 {
      %broadcast_in_dim3A_234 = arith.constant 0.000000e+00 : f32
      %broadcast_in_dim3A_235 = vector.broadcast %broadcast_in_dim3A_234 : f32 to vector<1x8192xf32>
      %swap3A_236 = arith.constant 0 : index
      %swap3A_237 = arith.constant 0 : index
      %swap3A_238 = vector.load %arg7[%swap3A_236, %swap3A_237] : memref<1x8192xf32, #tpu.memory_space<vmem>>, vector<1x8192xf32>
      tpu.vector_store %arg7[%swap3A_236, %swap3A_237], %broadcast_in_dim3A_235 {strides = array<i32>} : memref<1x8192xf32, #tpu.memory_space<vmem>>, vector<1x8192xf32>,
      %swap3A_239 = arith.constant 0.000000e+00 : f32
      %swap3A_240 = arith.constant 0 : index
      %swap3A_241 = memref.load %arg8[%swap3A_240] : memref<1xf32, #tpu.memory_space<smem>>
      memref.store %swap3A_239, %arg8[%swap3A_240] : memref<1xf32, #tpu.memory_space<smem>>
    } else {
    }
    %get3A = arith.constant 0 : index
    %get3A_2 = arith.constant 0 : index
    %get3A_3 = vector.load %arg1[%get3A, %get3A_2] : memref<512x256xf32, #tpu.memory_space<vmem>>, vector<512x256xf32>
    %get3A_4 = arith.constant 0 : index
    %get3A_5 = arith.constant 0 : index
    %get3A_6 = vector.load %arg4[%get3A_4, %get3A_5] : memref<512x1xf32, #tpu.memory_space<vmem>>, vector<512x1xf32>
    %get3A_7 = arith.constant 0 : index
    %get3A_8 = arith.constant 0 : index
    %get3A_9 = vector.load %arg2[%get3A_7, %get3A_8] : memref<256x8192xf32, #tpu.memory_space<vmem>>, vector<256x2048xf32>
    %dot_general3A = arith.constant dense<0.000000e+00> : vector<512x2048xf32>
    %dot_general3A_10 = tpu.matmul %get3A_3, %get3A_9, %dot_general3A {dimension_numbers = #tpu.dot_dimension_numbers<[1], [0], [0], [1], [0, 0, 1, 1], [], []>, transpose_lhs_hint = false} : vector<512x256xf32>, vector<256x2048xf32>, vector<512x2048xf32> -> vector<512x2048xf32>
    %get3A_11 = arith.constant 0 : index
    %get3A_12 = arith.constant 0 : index
    %get3A_13 = vector.load %arg3[%get3A_11, %get3A_12] : memref<1x8192xf32, #tpu.memory_space<vmem>>, vector<1x2048xf32>
    %add3A = vector.broadcast %get3A_6 : vector<512x1xf32> to vector<512x2048xf32>
    %add3A_14 = vector.broadcast %get3A_13 : vector<1x2048xf32> to vector<512x2048xf32>
    %add3A_15 = arith.addf %add3A, %add3A_14 : vector<512x2048xf32>
    %sub3A = arith.subf %add3A_15, %dot_general3A_10 : vector<512x2048xf32>
    %jit3A = arith.constant 0.000000e+00 : f32
    %max3A = vector.broadcast %jit3A : f32 to vector<512x2048xf32>
    %max3A_16 = arith.maximumf %max3A, %sub3A : vector<512x2048xf32>
    %sqrt3A = math.sqrt %max3A_16 : vector<512x2048xf32>
    %reduce_min3A = arith.constant dense<0x7F800000> : vector<512xf32>
    %reduce_min3A_17 = vector.multi_reduction <minimumf>, %sqrt3A, %reduce_min3A [1] : vector<512x2048xf32> to vector<512xf32>
    %broadcast_in_dim3A = vector.shape_cast %reduce_min3A_17 : vector<512xf32> to vector<512x1xf32>
    %get3A_18 = arith.constant 0 : index
    %get3A_19 = arith.constant 2048 : index
    %get3A_20 = vector.load %arg2[%get3A_18, %get3A_19] : memref<256x8192xf32, #tpu.memory_space<vmem>>, vector<256x2048xf32>
    %dot_general3A_21 = arith.constant dense<0.000000e+00> : vector<512x2048xf32>
    %dot_general3A_22 = tpu.matmul %get3A_3, %get3A_20, %dot_general3A_21 {dimension_numbers = #tpu.dot_dimension_numbers<[1], [0], [0], [1], [0, 0, 1, 1], [], []>, transpose_lhs_hint = false} : vector<512x256xf32>, vector<256x2048xf32>, vector<512x2048xf32> -> vector<512x2048xf32>
    %get3A_23 = arith.constant 0 : index
    %get3A_24 = arith.constant 2048 : index
    %get3A_25 = vector.load %arg3[%get3A_23, %get3A_24] : memref<1x8192xf32, #tpu.memory_space<vmem>>, vector<1x2048xf32>
    %add3A_26 = vector.broadcast %get3A_6 : vector<512x1xf32> to vector<512x2048xf32>
    %add3A_27 = vector.broadcast %get3A_25 : vector<1x2048xf32> to vector<512x2048xf32>
    %add3A_28 = arith.addf %add3A_26, %add3A_27 : vector<512x2048xf32>
    %sub3A_29 = arith.subf %add3A_28, %dot_general3A_22 : vector<512x2048xf32>
    %jit3A_30 = arith.constant 0.000000e+00 : f32
    %max3A_31 = vector.broadcast %jit3A_30 : f32 to vector<512x2048xf32>
    %max3A_32 = arith.maximumf %max3A_31, %sub3A_29 : vector<512x2048xf32>
    %sqrt3A_33 = math.sqrt %max3A_32 : vector<512x2048xf32>
    %reduce_min3A_34 = arith.constant dense<0x7F800000> : vector<512xf32>
    %reduce_min3A_35 = vector.multi_reduction <minimumf>, %sqrt3A_33, %reduce_min3A_34 [1] : vector<512x2048xf32> to vector<512xf32>
    %broadcast_in_dim3A_36 = vector.shape_cast %reduce_min3A_35 : vector<512xf32> to vector<512x1xf32>
    %get3A_37 = arith.constant 0 : index
    %get3A_38 = arith.constant 4096 : index
    %get3A_39 = vector.load %arg2[%get3A_37, %get3A_38] : memref<256x8192xf32, #tpu.memory_space<vmem>>, vector<256x2048xf32>
    %dot_general3A_40 = arith.constant dense<0.000000e+00> : vector<512x2048xf32>
    %dot_general3A_41 = tpu.matmul %get3A_3, %get3A_39, %dot_general3A_40 {dimension_numbers = #tpu.dot_dimension_numbers<[1], [0], [0], [1], [0, 0, 1, 1], [], []>, transpose_lhs_hint = false} : vector<512x256xf32>, vector<256x2048xf32>, vector<512x2048xf32> -> vector<512x2048xf32>
    %get3A_42 = arith.constant 0 : index
    %get3A_43 = arith.constant 4096 : index
    %get3A_44 = vector.load %arg3[%get3A_42, %get3A_43] : memref<1x8192xf32, #tpu.memory_space<vmem>>, vector<1x2048xf32>
    %add3A_45 = vector.broadcast %get3A_6 : vector<512x1xf32> to vector<512x2048xf32>
    %add3A_46 = vector.broadcast %get3A_44 : vector<1x2048xf32> to vector<512x2048xf32>
    %add3A_47 = arith.addf %add3A_45, %add3A_46 : vector<512x2048xf32>
    %sub3A_48 = arith.subf %add3A_47, %dot_general3A_41 : vector<512x2048xf32>
    %jit3A_49 = arith.constant 0.000000e+00 : f32
    %max3A_50 = vector.broadcast %jit3A_49 : f32 to vector<512x2048xf32>
    %max3A_51 = arith.maximumf %max3A_50, %sub3A_48 : vector<512x2048xf32>
    %sqrt3A_52 = math.sqrt %max3A_51 : vector<512x2048xf32>
    %reduce_min3A_53 = arith.constant dense<0x7F800000> : vector<512xf32>
    %reduce_min3A_54 = vector.multi_reduction <minimumf>, %sqrt3A_52, %reduce_min3A_53 [1] : vector<512x2048xf32> to vector<512xf32>
    %broadcast_in_dim3A_55 = vector.shape_cast %reduce_min3A_54 : vector<512xf32> to vector<512x1xf32>
    %get3A_56 = arith.constant 0 : index
    %get3A_57 = arith.constant 6144 : index
    %get3A_58 = vector.load %arg2[%get3A_56, %get3A_57] : memref<256x8192xf32, #tpu.memory_space<vmem>>, vector<256x2048xf32>
    %dot_general3A_59 = arith.constant dense<0.000000e+00> : vector<512x2048xf32>
    %dot_general3A_60 = tpu.matmul %get3A_3, %get3A_58, %dot_general3A_59 {dimension_numbers = #tpu.dot_dimension_numbers<[1], [0], [0], [1], [0, 0, 1, 1], [], []>, transpose_lhs_hint = false} : vector<512x256xf32>, vector<256x2048xf32>, vector<512x2048xf32> -> vector<512x2048xf32>
    %get3A_61 = arith.constant 0 : index
    %get3A_62 = arith.constant 6144 : index
    %get3A_63 = vector.load %arg3[%get3A_61, %get3A_62] : memref<1x8192xf32, #tpu.memory_space<vmem>>, vector<1x2048xf32>
    %add3A_64 = vector.broadcast %get3A_6 : vector<512x1xf32> to vector<512x2048xf32>
    %add3A_65 = vector.broadcast %get3A_63 : vector<1x2048xf32> to vector<512x2048xf32>
    %add3A_66 = arith.addf %add3A_64, %add3A_65 : vector<512x2048xf32>
    %sub3A_67 = arith.subf %add3A_66, %dot_general3A_60 : vector<512x2048xf32>
    %jit3A_68 = arith.constant 0.000000e+00 : f32
    %max3A_69 = vector.broadcast %jit3A_68 : f32 to vector<512x2048xf32>
    %max3A_70 = arith.maximumf %max3A_69, %sub3A_67 : vector<512x2048xf32>
    %sqrt3A_71 = math.sqrt %max3A_70 : vector<512x2048xf32>
    %reduce_min3A_72 = arith.constant dense<0x7F800000> : vector<512xf32>
    %reduce_min3A_73 = vector.multi_reduction <minimumf>, %sqrt3A_71, %reduce_min3A_72 [1] : vector<512x2048xf32> to vector<512xf32>
    %broadcast_in_dim3A_74 = vector.shape_cast %reduce_min3A_73 : vector<512xf32> to vector<512x1xf32>
    %min3A = arith.minimumf %broadcast_in_dim3A, %broadcast_in_dim3A_36 : vector<512x1xf32>
    %min3A_75 = arith.minimumf %min3A, %broadcast_in_dim3A_55 : vector<512x1xf32>
    %min3A_76 = arith.minimumf %min3A_75, %broadcast_in_dim3A_74 : vector<512x1xf32>
    %iota3A = tpu.iota {dimensions = array<i32: 1>} : vector<512x2048xi32>
    %broadcast_in_dim3A_77 = arith.constant 8192 : i32
    %broadcast_in_dim3A_78 = vector.broadcast %broadcast_in_dim3A_77 : i32 to vector<512x1xi32>
    %eq3A_79 = vector.broadcast %min3A_76 : vector<512x1xf32> to vector<512x2048xf32>
    %eq3A_80 = arith.cmpf oeq, %sqrt3A, %eq3A_79 : vector<512x2048xf32>
    %jit3A_81 = arith.constant 2048 : i32
    %broadcast_in_dim3A_82 = vector.broadcast %jit3A_81 : i32 to vector<512x2048xi32>
    %select_n3A = arith.select %eq3A_80, %iota3A, %broadcast_in_dim3A_82 : vector<512x2048xi1>, vector<512x2048xi32>
    %reduce_min3A_83 = arith.constant dense<2147483647> : vector<512xi32>
    %reduce_min3A_84 = vector.multi_reduction <minsi>, %select_n3A, %reduce_min3A_83 [1] : vector<512x2048xi32> to vector<512xi32>
    %broadcast_in_dim3A_85 = vector.shape_cast %reduce_min3A_84 : vector<512xi32> to vector<512x1xi32>
    %eq3A_86 = arith.constant 2048 : i32
    %eq3A_87 = vector.broadcast %eq3A_86 : i32 to vector<512x1xi32>
    %eq3A_88 = arith.cmpi eq, %broadcast_in_dim3A_85, %eq3A_87 : vector<512x1xi32>
    %add3A_89 = arith.constant 0 : i32
    %add3A_90 = vector.broadcast %add3A_89 : i32 to vector<512x1xi32>
    %add3A_91 = arith.addi %broadcast_in_dim3A_85, %add3A_90 : vector<512x1xi32>
    %jit3A_92 = arith.constant 8192 : i32
    %broadcast_in_dim3A_93 = vector.broadcast %jit3A_92 : i32 to vector<512x1xi32>
    %select_n3A_94 = arith.select %eq3A_88, %broadcast_in_dim3A_93, %add3A_91 : vector<512x1xi1>, vector<512x1xi32>
    %min3A_95 = arith.minsi %broadcast_in_dim3A_78, %select_n3A_94 : vector<512x1xi32>
    %eq3A_96 = vector.broadcast %min3A_76 : vector<512x1xf32> to vector<512x2048xf32>
    %eq3A_97 = arith.cmpf oeq, %sqrt3A_33, %eq3A_96 : vector<512x2048xf32>
    %jit3A_98 = arith.constant 2048 : i32
    %broadcast_in_dim3A_99 = vector.broadcast %jit3A_98 : i32 to vector<512x2048xi32>
    %select_n3A_100 = arith.select %eq3A_97, %iota3A, %broadcast_in_dim3A_99 : vector<512x2048xi1>, vector<512x2048xi32>
    %reduce_min3A_101 = arith.constant dense<2147483647> : vector<512xi32>
    %reduce_min3A_102 = vector.multi_reduction <minsi>, %select_n3A_100, %reduce_min3A_101 [1] : vector<512x2048xi32> to vector<512xi32>
    %broadcast_in_dim3A_103 = vector.shape_cast %reduce_min3A_102 : vector<512xi32> to vector<512x1xi32>
    %eq3A_104 = arith.constant 2048 : i32
    %eq3A_105 = vector.broadcast %eq3A_104 : i32 to vector<512x1xi32>
    %eq3A_106 = arith.cmpi eq, %broadcast_in_dim3A_103, %eq3A_105 : vector<512x1xi32>
    %add3A_107 = arith.constant 2048 : i32
    %add3A_108 = vector.broadcast %add3A_107 : i32 to vector<512x1xi32>
    %add3A_109 = arith.addi %broadcast_in_dim3A_103, %add3A_108 : vector<512x1xi32>
    %jit3A_110 = arith.constant 8192 : i32
    %broadcast_in_dim3A_111 = vector.broadcast %jit3A_110 : i32 to vector<512x1xi32>
    %select_n3A_112 = arith.select %eq3A_106, %broadcast_in_dim3A_111, %add3A_109 : vector<512x1xi1>, vector<512x1xi32>
    %min3A_113 = arith.minsi %min3A_95, %select_n3A_112 : vector<512x1xi32>
    %eq3A_114 = vector.broadcast %min3A_76 : vector<512x1xf32> to vector<512x2048xf32>
    %eq3A_115 = arith.cmpf oeq, %sqrt3A_52, %eq3A_114 : vector<512x2048xf32>
    %jit3A_116 = arith.constant 2048 : i32
    %broadcast_in_dim3A_117 = vector.broadcast %jit3A_116 : i32 to vector<512x2048xi32>
    %select_n3A_118 = arith.select %eq3A_115, %iota3A, %broadcast_in_dim3A_117 : vector<512x2048xi1>, vector<512x2048xi32>
    %reduce_min3A_119 = arith.constant dense<2147483647> : vector<512xi32>
    %reduce_min3A_120 = vector.multi_reduction <minsi>, %select_n3A_118, %reduce_min3A_119 [1] : vector<512x2048xi32> to vector<512xi32>
    %broadcast_in_dim3A_121 = vector.shape_cast %reduce_min3A_120 : vector<512xi32> to vector<512x1xi32>
    %eq3A_122 = arith.constant 2048 : i32
    %eq3A_123 = vector.broadcast %eq3A_122 : i32 to vector<512x1xi32>
    %eq3A_124 = arith.cmpi eq, %broadcast_in_dim3A_121, %eq3A_123 : vector<512x1xi32>
    %add3A_125 = arith.constant 4096 : i32
    %add3A_126 = vector.broadcast %add3A_125 : i32 to vector<512x1xi32>
    %add3A_127 = arith.addi %broadcast_in_dim3A_121, %add3A_126 : vector<512x1xi32>
    %jit3A_128 = arith.constant 8192 : i32
    %broadcast_in_dim3A_129 = vector.broadcast %jit3A_128 : i32 to vector<512x1xi32>
    %select_n3A_130 = arith.select %eq3A_124, %broadcast_in_dim3A_129, %add3A_127 : vector<512x1xi1>, vector<512x1xi32>
    %min3A_131 = arith.minsi %min3A_113, %select_n3A_130 : vector<512x1xi32>
    %eq3A_132 = vector.broadcast %min3A_76 : vector<512x1xf32> to vector<512x2048xf32>
    %eq3A_133 = arith.cmpf oeq, %sqrt3A_71, %eq3A_132 : vector<512x2048xf32>
    %jit3A_134 = arith.constant 2048 : i32
    %broadcast_in_dim3A_135 = vector.broadcast %jit3A_134 : i32 to vector<512x2048xi32>
    %select_n3A_136 = arith.select %eq3A_133, %iota3A, %broadcast_in_dim3A_135 : vector<512x2048xi1>, vector<512x2048xi32>
    %reduce_min3A_137 = arith.constant dense<2147483647> : vector<512xi32>
    %reduce_min3A_138 = vector.multi_reduction <minsi>, %select_n3A_136, %reduce_min3A_137 [1] : vector<512x2048xi32> to vector<512xi32>
    %broadcast_in_dim3A_139 = vector.shape_cast %reduce_min3A_138 : vector<512xi32> to vector<512x1xi32>
    %eq3A_140 = arith.constant 2048 : i32
    %eq3A_141 = vector.broadcast %eq3A_140 : i32 to vector<512x1xi32>
    %eq3A_142 = arith.cmpi eq, %broadcast_in_dim3A_139, %eq3A_141 : vector<512x1xi32>
    %add3A_143 = arith.constant 6144 : i32
    %add3A_144 = vector.broadcast %add3A_143 : i32 to vector<512x1xi32>
    %add3A_145 = arith.addi %broadcast_in_dim3A_139, %add3A_144 : vector<512x1xi32>
    %jit3A_146 = arith.constant 8192 : i32
    %broadcast_in_dim3A_147 = vector.broadcast %jit3A_146 : i32 to vector<512x1xi32>
    %select_n3A_148 = arith.select %eq3A_142, %broadcast_in_dim3A_147, %add3A_145 : vector<512x1xi1>, vector<512x1xi32>
    %min3A_149 = arith.minsi %min3A_131, %select_n3A_148 : vector<512x1xi32>
    %swap3A = arith.constant 0 : index
    %swap3A_150 = arith.constant 0 : index
    %swap3A_151 = vector.load %arg5[%swap3A, %swap3A_150] : memref<512x1xi32, #tpu.memory_space<vmem>>, vector<512x1xi32>
    tpu.vector_store %arg5[%swap3A, %swap3A_150], %min3A_149 {strides = array<i32>} : memref<512x1xi32, #tpu.memory_space<vmem>>, vector<512x1xi32>,
    %get3A_152 = arith.constant 0 : index
    %get3A_153 = memref.load %arg8[%get3A_152] : memref<1xf32, #tpu.memory_space<smem>>
    %mul3A = arith.mulf %min3A_76, %min3A_76 : vector<512x1xf32>
    %reduce_sum3A = vector.shape_cast %mul3A : vector<512x1xf32> to vector<1x512x1xf32>
    %reduce_sum3A_154 = arith.constant dense<0.000000e+00> : vector<1xf32>
    %reduce_sum3A_155 = vector.multi_reduction <add>, %reduce_sum3A, %reduce_sum3A_154 [1, 2] : vector<1x512x1xf32> to vector<1xf32>
    %reduce_sum3A_156 = vector.shape_cast %reduce_sum3A_155 : vector<1xf32> to vector<1x1x1xf32>
    %reduce_sum3A_157 = vector.extract %reduce_sum3A_156[0, 0, 0] : f32 from vector<1x1x1xf32>
    %add3A_158 = arith.addf %get3A_153, %reduce_sum3A_157 : f32
    %swap3A_159 = arith.constant 0 : index
    %swap3A_160 = memref.load %arg8[%swap3A_159] : memref<1xf32, #tpu.memory_space<smem>>
    memref.store %add3A_158, %arg8[%swap3A_159] : memref<1xf32, #tpu.memory_space<smem>>
    %sub3A_161 = arith.constant 0 : i32
    %sub3A_162 = vector.broadcast %sub3A_161 : i32 to vector<512x1xi32>
    %sub3A_163 = arith.subi %min3A_149, %sub3A_162 : vector<512x1xi32>
    %get3A_164 = arith.constant 0 : index
    %get3A_165 = arith.constant 0 : index
    %get3A_166 = vector.load %arg7[%get3A_164, %get3A_165] : memref<1x8192xf32, #tpu.memory_space<vmem>>, vector<1x2048xf32>
    %eq3A_167 = vector.broadcast %sub3A_163 : vector<512x1xi32> to vector<512x2048xi32>
    %eq3A_168 = arith.cmpi eq, %eq3A_167, %iota3A : vector<512x2048xi32>
    %convert_element_type3A_169 = arith.extui %eq3A_168 : vector<512x2048xi1> to vector<512x2048xi32>
    %convert_element_type3A_170 = arith.sitofp %convert_element_type3A_169 : vector<512x2048xi32> to vector<512x2048xf32>
    %reduce_sum3A_171 = arith.constant dense<0.000000e+00> : vector<2048xf32>
    %reduce_sum3A_172 = vector.multi_reduction <add>, %convert_element_type3A_170, %reduce_sum3A_171 [0] : vector<512x2048xf32> to vector<2048xf32>
    %broadcast_in_dim3A_173 = vector.shape_cast %reduce_sum3A_172 : vector<2048xf32> to vector<1x2048xf32>
    %add3A_174 = arith.addf %get3A_166, %broadcast_in_dim3A_173 : vector<1x2048xf32>
    %swap3A_175 = arith.constant 0 : index
    %swap3A_176 = arith.constant 0 : index
    %swap3A_177 = vector.load %arg7[%swap3A_175, %swap3A_176] : memref<1x8192xf32, #tpu.memory_space<vmem>>, vector<1x2048xf32>
    tpu.vector_store %arg7[%swap3A_175, %swap3A_176], %add3A_174 {strides = array<i32>} : memref<1x8192xf32, #tpu.memory_space<vmem>>, vector<1x2048xf32>,
    %sub3A_178 = arith.constant 2048 : i32
    %sub3A_179 = vector.broadcast %sub3A_178 : i32 to vector<512x1xi32>
    %sub3A_180 = arith.subi %min3A_149, %sub3A_179 : vector<512x1xi32>
    %get3A_181 = arith.constant 0 : index
    %get3A_182 = arith.constant 2048 : index
    %get3A_183 = vector.load %arg7[%get3A_181, %get3A_182] : memref<1x8192xf32, #tpu.memory_space<vmem>>, vector<1x2048xf32>
    %eq3A_184 = vector.broadcast %sub3A_180 : vector<512x1xi32> to vector<512x2048xi32>
    %eq3A_185 = arith.cmpi eq, %eq3A_184, %iota3A : vector<512x2048xi32>
    %convert_element_type3A_186 = arith.extui %eq3A_185 : vector<512x2048xi1> to vector<512x2048xi32>
    %convert_element_type3A_187 = arith.sitofp %convert_element_type3A_186 : vector<512x2048xi32> to vector<512x2048xf32>
    %reduce_sum3A_188 = arith.constant dense<0.000000e+00> : vector<2048xf32>
    %reduce_sum3A_189 = vector.multi_reduction <add>, %convert_element_type3A_187, %reduce_sum3A_188 [0] : vector<512x2048xf32> to vector<2048xf32>
    %broadcast_in_dim3A_190 = vector.shape_cast %reduce_sum3A_189 : vector<2048xf32> to vector<1x2048xf32>
    %add3A_191 = arith.addf %get3A_183, %broadcast_in_dim3A_190 : vector<1x2048xf32>
    %swap3A_192 = arith.constant 0 : index
    %swap3A_193 = arith.constant 2048 : index
    %swap3A_194 = vector.load %arg7[%swap3A_192, %swap3A_193] : memref<1x8192xf32, #tpu.memory_space<vmem>>, vector<1x2048xf32>
    tpu.vector_store %arg7[%swap3A_192, %swap3A_193], %add3A_191 {strides = array<i32>} : memref<1x8192xf32, #tpu.memory_space<vmem>>, vector<1x2048xf32>,
    %sub3A_195 = arith.constant 4096 : i32
    %sub3A_196 = vector.broadcast %sub3A_195 : i32 to vector<512x1xi32>
    %sub3A_197 = arith.subi %min3A_149, %sub3A_196 : vector<512x1xi32>
    %get3A_198 = arith.constant 0 : index
    %get3A_199 = arith.constant 4096 : index
    %get3A_200 = vector.load %arg7[%get3A_198, %get3A_199] : memref<1x8192xf32, #tpu.memory_space<vmem>>, vector<1x2048xf32>
    %eq3A_201 = vector.broadcast %sub3A_197 : vector<512x1xi32> to vector<512x2048xi32>
    %eq3A_202 = arith.cmpi eq, %eq3A_201, %iota3A : vector<512x2048xi32>
    %convert_element_type3A_203 = arith.extui %eq3A_202 : vector<512x2048xi1> to vector<512x2048xi32>
    %convert_element_type3A_204 = arith.sitofp %convert_element_type3A_203 : vector<512x2048xi32> to vector<512x2048xf32>
    %reduce_sum3A_205 = arith.constant dense<0.000000e+00> : vector<2048xf32>
    %reduce_sum3A_206 = vector.multi_reduction <add>, %convert_element_type3A_204, %reduce_sum3A_205 [0] : vector<512x2048xf32> to vector<2048xf32>
    %broadcast_in_dim3A_207 = vector.shape_cast %reduce_sum3A_206 : vector<2048xf32> to vector<1x2048xf32>
    %add3A_208 = arith.addf %get3A_200, %broadcast_in_dim3A_207 : vector<1x2048xf32>
    %swap3A_209 = arith.constant 0 : index
    %swap3A_210 = arith.constant 4096 : index
    %swap3A_211 = vector.load %arg7[%swap3A_209, %swap3A_210] : memref<1x8192xf32, #tpu.memory_space<vmem>>, vector<1x2048xf32>
    tpu.vector_store %arg7[%swap3A_209, %swap3A_210], %add3A_208 {strides = array<i32>} : memref<1x8192xf32, #tpu.memory_space<vmem>>, vector<1x2048xf32>,
    %sub3A_212 = arith.constant 6144 : i32
    %sub3A_213 = vector.broadcast %sub3A_212 : i32 to vector<512x1xi32>
    %sub3A_214 = arith.subi %min3A_149, %sub3A_213 : vector<512x1xi32>
    %get3A_215 = arith.constant 0 : index
    %get3A_216 = arith.constant 6144 : index
    %get3A_217 = vector.load %arg7[%get3A_215, %get3A_216] : memref<1x8192xf32, #tpu.memory_space<vmem>>, vector<1x2048xf32>
    %eq3A_218 = vector.broadcast %sub3A_214 : vector<512x1xi32> to vector<512x2048xi32>
    %eq3A_219 = arith.cmpi eq, %eq3A_218, %iota3A : vector<512x2048xi32>
    %convert_element_type3A_220 = arith.extui %eq3A_219 : vector<512x2048xi1> to vector<512x2048xi32>
    %convert_element_type3A_221 = arith.sitofp %convert_element_type3A_220 : vector<512x2048xi32> to vector<512x2048xf32>
    %reduce_sum3A_222 = arith.constant dense<0.000000e+00> : vector<2048xf32>
    %reduce_sum3A_223 = vector.multi_reduction <add>, %convert_element_type3A_221, %reduce_sum3A_222 [0] : vector<512x2048xf32> to vector<2048xf32>
    %broadcast_in_dim3A_224 = vector.shape_cast %reduce_sum3A_223 : vector<2048xf32> to vector<1x2048xf32>
    %add3A_225 = arith.addf %get3A_217, %broadcast_in_dim3A_224 : vector<1x2048xf32>
    %swap3A_226 = arith.constant 0 : index
    %swap3A_227 = arith.constant 6144 : index
    %swap3A_228 = vector.load %arg7[%swap3A_226, %swap3A_227] : memref<1x8192xf32, #tpu.memory_space<vmem>>, vector<1x2048xf32>
    tpu.vector_store %arg7[%swap3A_226, %swap3A_227], %add3A_225 {strides = array<i32>} : memref<1x8192xf32, #tpu.memory_space<vmem>>, vector<1x2048xf32>,
    %eq3A_229 = arith.constant 15 : i32
    %eq3A_230 = arith.cmpi eq, %arg0, %eq3A_229 : i32
    %convert_element_type3A_231 = arith.extui %eq3A_230 : i1 to i32
    %cond3A_232 = arith.constant 0 : i32
    %cond3A_233 = arith.cmpi ne, %convert_element_type3A_231, %cond3A_232 : i32
    scf.if %cond3A_233 {
      %get3A_234 = arith.constant 0 : index
      %get3A_235 = memref.load %arg8[%get3A_234] : memref<1xf32, #tpu.memory_space<smem>>
      %broadcast_in_dim3A_236 = arith.constant 1.000000e+00 : f32
      %broadcast_in_dim3A_237 = vector.broadcast %broadcast_in_dim3A_236 : f32 to vector<1x1xf32>
      %mul3A_238 = vector.broadcast %get3A_235 : f32 to vector<1x1xf32>
      %mul3A_239 = arith.mulf %mul3A_238, %broadcast_in_dim3A_237 : vector<1x1xf32>
      %swap3A_240 = arith.constant 0 : index
      %swap3A_241 = arith.constant 0 : index
      %swap3A_242 = vector.load %arg6[%swap3A_240, %swap3A_241] : memref<1x1xf32, #tpu.memory_space<vmem>>, vector<1x1xf32>
      tpu.vector_store %arg6[%swap3A_240, %swap3A_241], %mul3A_239 {strides = array<i32>} : memref<1x1xf32, #tpu.memory_space<vmem>>, vector<1x1xf32>,
    } else {
    }
    return
  }
  func.func @transform_0(%arg0: i32) -> (i32, i32) {
    %c0_i32 = arith.constant 0 : i32
    %c0_i32_0 = arith.constant 0 : i32
    return %arg0, %c0_i32 : i32, i32
  }
  func.func @transform_1(%arg0: i32) -> (i32, i32) {
    %c0_i32 = arith.constant 0 : i32
    %c0_i32_0 = arith.constant 0 : i32
    %c0_i32_1 = arith.constant 0 : i32
    return %c0_i32, %c0_i32_0 : i32, i32
  }
  func.func @transform_2(%arg0: i32) -> (i32, i32) {
    %c0_i32 = arith.constant 0 : i32
    %c0_i32_0 = arith.constant 0 : i32
    %c0_i32_1 = arith.constant 0 : i32
    return %c0_i32, %c0_i32_0 : i32, i32
  }
  func.func @transform_3(%arg0: i32) -> (i32, i32) {
    %c0_i32 = arith.constant 0 : i32
    %c0_i32_0 = arith.constant 0 : i32
    return %arg0, %c0_i32 : i32, i32
  }
  func.func @transform_4(%arg0: i32) -> (i32, i32) {
    %c0_i32 = arith.constant 0 : i32
    %c0_i32_0 = arith.constant 0 : i32
    return %arg0, %c0_i32 : i32, i32
  }
  func.func @transform_5(%arg0: i32) -> (i32, i32) {
    %c0_i32 = arith.constant 0 : i32
    %c0_i32_0 = arith.constant 0 : i32
    %c0_i32_1 = arith.constant 0 : i32
    return %c0_i32, %c0_i32_0 : i32, i32
  }
  func.func @transform_6(%arg0: i32) -> (i32, i32) {
    %c0_i32 = arith.constant 0 : i32
    %c0_i32_0 = arith.constant 0 : i32
    %c0_i32_1 = arith.constant 0 : i32
    return %c0_i32, %c0_i32_0 : i32, i32
  }
}

module attributes {stable_mosaic.version = 14 : i64} {
  func.func @_fin_body(%arg0: memref<1x8192xf32, #tpu.memory_space<vmem>>, %arg1: memref<1x8192xf32, #tpu.memory_space<vmem>>, %arg2: memref<1x1xf32, #tpu.memory_space<vmem>>, %arg3: memref<1x1xf32, #tpu.memory_space<vmem>>, %arg4: memref<1x1xf32, #tpu.memory_space<vmem>>, %arg5: memref<1x1xf32, #tpu.memory_space<vmem>>) attributes {dimension_semantics = [], scalar_prefetch = 0 : i64, scratch_operands = 0 : i64, tpu.core_type = #tpu.core_type<tc>} {
    %get3A = arith.constant 0 : index
    %get3A_0 = arith.constant 0 : index
    %get3A_1 = vector.load %arg2[%get3A, %get3A_0] : memref<1x1xf32, #tpu.memory_space<vmem>>, vector<1x1xf32>
    %get3A_2 = arith.constant 0 : index
    %get3A_3 = arith.constant 0 : index
    %get3A_4 = vector.load %arg3[%get3A_2, %get3A_3] : memref<1x1xf32, #tpu.memory_space<vmem>>, vector<1x1xf32>
    %add3A = arith.addf %get3A_1, %get3A_4 : vector<1x1xf32>
    %div3A = arith.constant 0x4A800000 : f32
    %div3A_5 = vector.broadcast %div3A : f32 to vector<1x1xf32>
    %div3A_6 = arith.divf %add3A, %div3A_5 : vector<1x1xf32>
    %mul3A = arith.constant 1.000000e-01 : f32
    %mul3A_7 = vector.broadcast %mul3A : f32 to vector<1x1xf32>
    %mul3A_8 = arith.mulf %mul3A_7, %div3A_6 : vector<1x1xf32>
    %swap3A = arith.constant 0 : index
    %swap3A_9 = arith.constant 0 : index
    %swap3A_10 = vector.load %arg4[%swap3A, %swap3A_9] : memref<1x1xf32, #tpu.memory_space<vmem>>, vector<1x1xf32>
    tpu.vector_store %arg4[%swap3A, %swap3A_9], %mul3A_8 {strides = array<i32>} : memref<1x1xf32, #tpu.memory_space<vmem>>, vector<1x1xf32>,
    %get3A_11 = arith.constant 0 : index
    %get3A_12 = arith.constant 0 : index
    %get3A_13 = vector.load %arg0[%get3A_11, %get3A_12] : memref<1x8192xf32, #tpu.memory_space<vmem>>, vector<1x8192xf32>
    %get3A_14 = arith.constant 0 : index
    %get3A_15 = arith.constant 0 : index
    %get3A_16 = vector.load %arg1[%get3A_14, %get3A_15] : memref<1x8192xf32, #tpu.memory_space<vmem>>, vector<1x8192xf32>
    %add3A_17 = arith.addf %get3A_13, %get3A_16 : vector<1x8192xf32>
    %div3A_18 = arith.constant 1.638400e+04 : f32
    %div3A_19 = vector.broadcast %div3A_18 : f32 to vector<1x8192xf32>
    %div3A_20 = arith.divf %add3A_17, %div3A_19 : vector<1x8192xf32>
    %add3A_21 = arith.constant 1.000000e-10 : f32
    %add3A_22 = vector.broadcast %add3A_21 : f32 to vector<1x8192xf32>
    %add3A_23 = arith.addf %div3A_20, %add3A_22 : vector<1x8192xf32>
    %log3A = math.log %add3A_23 : vector<1x8192xf32>
    %mul3A_24 = arith.mulf %div3A_20, %log3A : vector<1x8192xf32>
    %reduce_sum3A = arith.constant dense<0.000000e+00> : vector<1xf32>
    %reduce_sum3A_25 = vector.multi_reduction <add>, %mul3A_24, %reduce_sum3A [1] : vector<1x8192xf32> to vector<1xf32>
    %broadcast_in_dim3A = vector.shape_cast %reduce_sum3A_25 : vector<1xf32> to vector<1x1xf32>
    %neg3A = arith.constant 0.000000e+00 : f32
    %neg3A_26 = vector.broadcast %neg3A : f32 to vector<1x1xf32>
    %neg3A_27 = arith.subf %neg3A_26, %broadcast_in_dim3A : vector<1x1xf32>
    %exp3A = math.exp %neg3A_27 : vector<1x1xf32>
    %swap3A_28 = arith.constant 0 : index
    %swap3A_29 = arith.constant 0 : index
    %swap3A_30 = vector.load %arg5[%swap3A_28, %swap3A_29] : memref<1x1xf32, #tpu.memory_space<vmem>>, vector<1x1xf32>
    tpu.vector_store %arg5[%swap3A_28, %swap3A_29], %exp3A {strides = array<i32>} : memref<1x1xf32, #tpu.memory_space<vmem>>, vector<1x1xf32>,
    return
  }
}

</mosaic_0001>

<sc_bundles>
// kernel: kernel.10.cloned.1.call-start
scs
__scs_entry_jumppad:
0x0: {  	(pc) =	sbr.rel $0x88, $3  }
0x1: {  	(tag) =	ssettag $0x0;
	lr =	simm.s32 $0x1  }
0x2: {  	[smem:$0x3F9F] =	sst lr;
	_ =	strace $0xD0000000  }
0x3: {  	_ = 	snop  }
0x4: {  	_ = 	snop  }
0x5: {  	_ = 	snop  }
0x6: {  	_ = 	snop  }
0x7: {  	_ = 	snop  }
__scs_overlays_trampoline_lowered:
0x8: {  	[smem:$0x3FAE] =	sst s0  }
0x9: {  	[smem:$0x3FAF] =	sst s1  }
0xa: {  	[smem:$0x3FB0] =	sst s2  }
0xb: {  	[smem:$0x3FB1] =	sst s3  }
0xc: {  	[smem:$0x3FB2] =	sst s4  }
0xd: {  	[smem:$0x3FB3] =	sst s5  }
0xe: {  	[smem:$0x3FB4] =	sst s6  }
0xf: {  	[smem:$0x3FB5] =	sst s7  }
0x10: {  	[smem:$0x3FB6] =	sst s8  }
0x11: {  	[smem:$0x3FB7] =	sst s9;
	s0 =	simm.s32 @!p0 $0x0  }
0x12: {  	s1 =	sld [smem:$0x3F9D];
	s0 =	simm.s32 @p0 $0x1  }
0x13: {  	[smem:$0x3FB8] =	sst s0;
	s0 =	simm.s32 @!p1 $0x0  }
0x14: {  	s2 =	sld [smem:$0x3F9C];
	s0 =	simm.s32 @p1 $0x1  }
0x15: {  	[smem:$0x3FB9] =	sst s0;
	s0 =	simm.s32 @!p2 $0x0  }
0x16: {  	s3 =	sld [smem:$0x3FDB];
	s0 =	simm.s32 @p2 $0x1  }
0x17: {  	s4 =	simm.s32 $0x1BF5;
	[smem:$0x3FBB] =	sst s0  }
0x18: {  	s0 =	sld [smem:$0x3F9E];
	_ =	swait.ge [sflag:s4], $0x0  }
0x19: {  	s7 =	sld [smem:$0x3F9F]  }
0x1a: {  	s8 =	sadd.s32 $0xFFFFE003, lr  }
0x1b: {  	s9 =	sadd.s32 $0xFFFFFEF7, lr;
	s5 =	simm.s32 $0xFFFFFFFF;
	p2 =	slt.u32 s8, $0xFFFFF086  }
0x1c: {  	p1 =	slt.u32 s9, $0xF7A;
	s5 =	simm.s32 @!p2 $0x0  }
0x1d: {  	s5 =	simm.s32 @p1 $0x1;
	p0 =	seq.s32 s7, s2  }
0x1e: {  	s7 =	smul.u32 @!p0 $0xF7A, s2;
	p2 =	seq.s32 @!p0 s5, $0x0  }
0x1f: {  	s9 =	smul.u32 $0xF7A, s1;
	s8 =	simm.s32 @!p0 $0x1BF5;
	p2 =	por !p2, p0  }
0x20: {  	[sflag:s8] =	ssyncset.s32 @!p0 $0xFFFFF086;
	s6 =	sadd.s32 @!p0 s3, s7;
	s7 =	simm.s32 @!p0 $0x108  }
0x21: {  	s3 =	sadd.s32 s3, s9;
	s6 =	sadd.s32 @!p0 $0x88, s6;
	s7 =	simm.s32 @p2 $0x1082  }
0x22: {  	[simem:s7], [sflag:s8] =	dma.local @!p0 [hbm:s6], $0xF7A  }
0x23: {  	s9 =	sor.u32 $0xD0000000, s2;
	s6 =	simm.s32 $0x108;
	_ =	swait.ge @!p0 [sflag:s8], $0x0  }
0x24: {  	s3 =	sadd.s32 $0x88, s3;
	s6 =	simm.s32 @!p1 $0x1082;
	[sflag:s4] =	ssyncset.s32 $0xFFFFF086  }
0x25: {  	[simem:s6], [sflag:s4] =	dma.local [hbm:s3], $0xF7A  }
0x26: {  	[smem:$0x3F9F] =	sst s1;
	(tag) =	ssettag s2;
	_ =	strace s9  }
0x27: {  	s1 =	sld [smem:$0x3FAF]  }
0x28: {  	s2 =	sld [smem:$0x3FB0]  }
0x29: {  	s4 =	sld [smem:$0x3FB2]  }
0x2a: {  	p0 =	seq.s32 s5, $0x0;
	s5 =	sld [smem:$0x3FB3]  }
0x2b: {  	s6 =	sld [smem:$0x3FB4]  }
0x2c: {  	s7 =	sld [smem:$0x3FB5]  }
0x2d: {  	s3 =	simm.s32 $0x108;
	s8 =	sld [smem:$0x3FB6]  }
0x2e: {  	s3 =	simm.s32 @!p0 $0x1082;
	s9 =	sld [smem:$0x3FB7]  }
0x2f: {  	lr =	sadd.s32 s0, s3;
	s0 =	sld [smem:$0x3FAE]  }
0x30: {  	s3 =	sld [smem:$0x3FB1]  }
0x31: {  	[smem:$0x3FBA] =	sst s10  }
0x32: {  	s10 =	sld [smem:$0x3FB8];
	_ =	sdelay $0x3  }
0x33: {  	p0 =	seq.s32 s10, $0x1;
	s10 =	sld [smem:$0x3FBA];
	_ =	sdelay $0x3  }
0x34: {  	[smem:$0x3FBA] =	sst s10  }
0x35: {  	s10 =	sld [smem:$0x3FB9];
	_ =	sdelay $0x3  }
0x36: {  	p1 =	seq.s32 s10, $0x1;
	s10 =	sld [smem:$0x3FBA];
	_ =	sdelay $0x3  }
0x37: {  	[smem:$0x3FBA] =	sst s10  }
0x38: {  	s10 =	sld [smem:$0x3FBB]  }
0x39: {  	_ = 	snop;
	(pc) =	sbr.ind lr, $3  }
0x3a: {  	_ = 	snop  }
0x3b: {  	_ = 	snop  }
0x3c: {  	p2 =	seq.s32 s10, $0x1;
	s10 =	sld [smem:$0x3FBA]  }
0x3d: {  	_ =	shalt  }
0x3e: {  	_ =	shalt  }
0x3f: {  	_ =	shalt  }
0x40: {  	_ =	shalt  }
0x41: {  	_ =	shalt  }
0x42: {  	_ =	shalt  }
0x43: {  	_ =	shalt  }
0x44: {  	_ =	shalt  }
0x45: {  	_ =	shalt  }
0x46: {  	_ =	shalt  }
0x47: {  	_ =	shalt  }
0x48: {  	_ =	shalt  }
0x49: {  	_ =	shalt  }
0x4a: {  	_ =	shalt  }
0x4b: {  	_ =	shalt  }
0x4c: {  	_ =	shalt  }
0x4d: {  	_ =	shalt  }
0x4e: {  	_ =	shalt  }
0x4f: {  	_ =	shalt  }
0x50: {  	_ =	shalt  }
0x51: {  	_ =	shalt  }
0x52: {  	_ =	shalt  }
0x53: {  	_ =	shalt  }
0x54: {  	_ =	shalt  }
0x55: {  	_ =	shalt  }
0x56: {  	_ =	shalt  }
0x57: {  	_ =	shalt  }
0x58: {  	_ =	shalt  }
0x59: {  	_ =	shalt  }
0x5a: {  	_ =	shalt  }
0x5b: {  	_ =	shalt  }
0x5c: {  	_ =	shalt  }
0x5d: {  	_ =	shalt  }
0x5e: {  	_ =	shalt  }
0x5f: {  	_ =	shalt  }
0x60: {  	_ =	shalt  }
0x61: {  	_ =	shalt  }
0x62: {  	_ =	shalt  }
0x63: {  	_ =	shalt  }
0x64: {  	_ =	shalt  }
0x65: {  	_ =	shalt  }
0x66: {  	_ =	shalt  }
0x67: {  	_ =	shalt  }
0x68: {  	_ =	shalt  }
0x69: {  	_ =	shalt  }
0x6a: {  	_ =	shalt  }
0x6b: {  	_ =	shalt  }
0x6c: {  	_ =	shalt  }
0x6d: {  	_ =	shalt  }
0x6e: {  	_ =	shalt  }
0x6f: {  	_ =	shalt  }
0x70: {  	_ =	shalt  }
0x71: {  	_ =	shalt  }
0x72: {  	_ =	shalt  }
0x73: {  	_ =	shalt  }
0x74: {  	_ =	shalt  }
0x75: {  	_ =	shalt  }
0x76: {  	_ =	shalt  }
0x77: {  	_ =	shalt  }
0x78: {  	_ =	shalt  }
0x79: {  	_ =	shalt  }
0x7a: {  	_ =	shalt  }
0x7b: {  	_ =	shalt  }
0x7c: {  	_ =	shalt  }
0x7d: {  	_ =	shalt  }
0x7e: {  	_ =	shalt  }
0x7f: {  	_ =	shalt  }
0x80: {  	_ =	shalt  }
0x81: {  	_ =	shalt  }
0x82: {  	_ =	shalt  }
0x83: {  	_ =	shalt  }
0x84: {  	_ =	shalt  }
0x85: {  	_ =	shalt  }
0x86: {  	_ =	shalt  }
0x87: {  	_ =	shalt  }
.Lfunc_end0:
.L_simem_size_0:
called_computation.1_lowered:
.L_overlay_start_0:
0x88: {  	s2 =	sld [smem:$0x3FD9]  }
0x89: {  	s3 =	sld [smem:$0x3FFE];
	_ =	sdelay $0x1  }
0x8a: {  	s1 =	srdreg.scid  }
0x8b: {  	s0 =	sand.u32 $0x1, s1  }
0x8c: {  	s17 =	sshll.u32 s0, $0xA;
	s2 =	sadd.s32 s3, s2  }
0x8d: {  	s2 =	sadd.s32 s2, s17  }
0x8e: {  	[smem:$0x3FC6] =	sst s2  }
0x8f: {  	_ = 	snop  }
0x90: {  	s2 =	sld [smem:$0x3FC8];
	(tm) =	ssettm $0x1  }
0x91: {  	s18 =	sld [smem:$0x3FFB];
	_ =	sdelay $0x3  }
0x92: {  	_ =	strace s18  }
0x93: {  	s3 =	sld [smem:$0x3FFC];
	_ =	sdelay $0x3  }
0x94: {  	_ =	strace s3  }
0x95: {  	s3 =	sld [smem:$0x3FFD];
	_ =	sdelay $0x3  }
0x96: {  	_ =	strace s3  }
0x97: {  	_ =	strace $0x8FFFFFFF  }
0x98: {  	s19 =	sld [smem:$0x3FDB];
	_ =	sdelay $0x1  }
0x99: {  	s4 =	simm.s32 $_scs_section_size  }
0x9a: {  	s5 =	simm.s32 $_size__tile_overlayer_lowered;
	s6 =	simm.s32 $_tile_overlayer_lowered  }
0x9b: {  	s22 =	simm.s32 $0x1BFF;
	s21 =	sshll.u32 s6, $0x1;
	s3 =	sadd.s32 s4, s19  }
0x9c: {  	s7 =	simm.s32 $0x0;
	s20 =	sshll.u32 s5, $0x1;
	s5 =	sadd.s32 s21, s3  }
0x9d: {  	[timem:s7], [sflag:s22] =	dma.local [hbm:s5], s20  }
0x9e: {  	_ =	swait.ge [sflag:s22], s20  }
0x9f: {  	s4 =	ssub.s32 $0x0, s20;
	[sflag:s22] =	ssyncset.done $0x0  }
0xa0: {  	[sflag:s22] =	ssyncadd.s32 s4;
	_ =	sdelay $0x1  }
0xa1: {  	s23 =	simm.s32 $0x1B8B  }
0xa2: {  	_ =	swait.ge [sflag:s23], $0x1  }
0xa3: {  	[sflag:s23] =	ssyncset.done $0x0  }
0xa4: {  	s25 =	simm.s32 $0x1B8E;
	s24 =	sld [smem:$0x3FFE];
	[sflag:s23] =	ssyncadd.s32 $0xFFFFFFFF  }
0xa5: {  	s26 =	simm.s32 $execute0_lowered;
	[smem:$0x3FD2] =	sst s25  }
0xa6: {  	s5 =	sshll.u32 s26, $0x1;
	_ =	strace $0x80000046;
	[dreg:$0x1] =	wrdreg $0xFFFFFFFF  }
0xa7: {  	s28 =	simm.s32 $_size_execute0_lowered;
	s3 =	sadd.s32 s3, s5;
	[dreg:$0x0] =	wrdreg $0x0  }
0xa8: {  	s5 =	sshll.u32 s28, $0x1;
	[dreg:$0x2] =	wrdreg s3  }
0xa9: {  	[dreg:$0x3] =	wrdreg s5  }
0xaa: {  	[dreg:$0x4] =	wrdreg $0xC0  }
0xab: {  	_ =	task [dreg:s7], $0x5FFFF  }
0xac: {  	[dreg:$0x1] =	wrdreg $0xFFFFFFFF  }
0xad: {  	[dreg:$0x0] =	wrdreg $0x60  }
0xae: {  	[dreg:$0x2] =	wrdreg s2  }
0xaf: {  	[dreg:$0x3] =	wrdreg s24  }
0xb0: {  	[dreg:$0x4] =	wrdreg $0xA  }
0xb1: {  	_ =	task.clear_ibuf [dreg:s7], $0x5FFFF;
	_ =	strace $0x90000046  }
0xb2: {  	s29 =	simm.s32 $0xA;
	_ =	strace $0x80000048  }
0xb3: {  	_ =	swait.ge [sflag:s29], $0x1  }
0xb4: {  	[sflag:s29] =	ssyncadd.s32 $0xFFFFFFFF  }
0xb5: {  	_ =	strace $0x90000048  }
0xb6: {  	_ =	sfence  }
0xb7: {  	s30 =	sld [smem:$0x0];
	_ =	sdelay $0x2  }
0xb8: {  	s31 =	sshll.u32 s1, $0xD;
	s1 =	sshrl.u32 s1, $0x2  }
0xb9: {  	s3 =	sand.u32 $0x4000, s31;
	s1 =	sadd.s32 s1, s30  }
0xba: {  	s0 =	sor.u32 s3, s0;
	s1 =	sshll.u32 s1, $0x11  }
0xbb: {  	s0 =	sor.u32 s1, s0  }
0xbc: {  	s0 =	sadd.s32 $0x8F2B, s0  }
0xbd: {  	[sflag:s0] =	ssyncadd.remote.s32 $0x1  }
0xbe: {  	_ =	sfence.sel $0xFFFF  }
0xbf: {  	[dreg:$0x0] =	wrdreg $0xFFFFFFFF;
	(pc) =	sbr.abs _section_cstart, $3  }
0xc0: {  	[dreg:$0x1] =	wrdreg $0xFFFFFFFF  }
0xc1: {  	_ =	task.clear_ibuf [dreg:s7], $0x2FFFF;
	_ =	strace $0x9FFFFFFF  }
0xc2: {  	(tm) =	ssettm $0x7FFFFFFF  }
0xc3: {  	_ =	shalt  }
tec
execute0_lowered:
.L_overlay_start_1:
0x0: {  	(tag) =	ssettag $0x1  }
0x1: {  	s1 =	rddreg [dreg:$0x0]  }
0x2: {  	s6 =	rddreg [dreg:$0x1]  }
0x3: {  	s0 =	rddreg [dreg:$0x2];
	s3 =	simm.s32 $0x0;
	s4 =	srdreg.scid  }
0x4: {  	s2 =	stileid.u32;
	s11 =	simm.s32 $0x880;
	s12 =	simm.s32 $0x1080  }
0x5: {  	s13 =	simm.s32 $0x1880;
	s14 =	simm.s32 $0x2080;
	s15 =	simm.s32 $0x2880  }
0x6: {  	s16 =	simm.s32 $0x3080;
	s17 =	simm.s32 $0x3880;
	s18 =	simm.s32 $0x4080  }
0x7: {  	s19 =	simm.s32 $0x4880;
	s20 =	simm.s32 $0x5080;
	s21 =	simm.s32 $0x5880  }
0x8: {  	s22 =	simm.s32 $0x6080;
	s23 =	simm.s32 $0x6880;
	s24 =	simm.s32 $0x7080  }
0x9: {  	s25 =	simm.s32 $0x7880;
	s26 =	simm.s32 $0x1;
	s4 =	sand.u32 $0x1, s4  }
0xa: {  	[smem:$0x7FF] =	sst s3;
	s7 =	sshll.u32 s2, $0x9;
	s5 =	ssub.s32 $0x2, s4  }
0xb: {  	s9 =	sadd.s32 $0x400, s6;
	s4 =	sshll.u32 s4, $0x8;
	s8 =	sshrl.u32 s5, $0x1  }
0xc: {  	_ =	strace $0x80000047;
	s7 =	sor.u32 s4, s7;
	s8 =	ssub.s32 s5, s8  }
0xd: {  	s4 =	sshrl.u32 s7, $0x3;
	s31 =	sshll.u32 s7, $0x5;
	s7 =	sor.u32 $0x80, s7  }
0xe: {  	v2 =	vlaneseq.u32;
	s4 =	sadd.s32 s6, s4;
	s5 =	sadd.s32 s9, s31;
	s10 =	sshrl.u32 s7, $0x3  }
0xf: {  	vm0 =	vmmov $0xffff;
	v1 =	vshrl.u32 v2, $0x3;
	s7 =	sshll.u32 s7, $0x5;
	s8 =	smax.u32 s8, $0x1;
	s6 =	sadd.s32 s6, s10  }
0x10: {  	v0 =	vand.u32 $0x7, v2;
	v2 =	vor.u32 $0x8, v2;
	v1 =	vmul.u32 $0x8, v1;
	s7 =	sadd.s32 s9, s7;
	s9 =	simm.s32 $0x2;
	s10 =	simm.s32 $0x80  }
.LBB2_1:
0x11: {  	[tilespmem:s3], [sflag:$0x2] =	stream.linear.gather [hbm4b:s4+s3], $0x80, $0x38;
	[tilespmem:$0x8080] =	vst v63  }
0x12: {  	_ =	swait.ge [sflag:s9], $0x80  }
0x13: {  	[sflag:s9] =	ssyncset.done $0x0  }
0x14: {  	[sflag:s9] =	ssyncadd.s32 $0xFFFFFF80  }
0x15: {  	v3 =	vld [tilespmem:$0x0];
	_ =	sdelay $0x4  }
0x16: {  	v4 =	vshll.u32 v3, $0x1  }
0x17: {  	v3 =	vand.u32 $0x7, v3;
	v4 =	vand.u32 $0xFFFFFFF0, v4  }
0x18: {  	v3 =	vor.u32 v3, v4  }
0x19: {  	v4 =	vperm.xlane v3, v0;
	_ =	sdelay $0x1  }
0x1a: {  	v3 =	vperm.xlane v3, v2;
	v4 =	vadd.s32 v1, v4;
	_ =	sdelay $0x1  }
0x1b: {  	v3 =	vadd.s32 v1, v3;
	_ =	sdelay $0x2  }
0x1c: {  	[tilespmem:s10], [sflag:$0x1] =	stream.indirect_vreg.gather [hbm4b:s1+s3], $0x80, v4, vm0, $0xb8;
	[tilespmem:$0x8080] =	vst v63  }
0x1d: {  	_ = 	snop  }
0x1e: {  	[tilespmem:s11], [sflag:$0x1] =	stream.indirect_vreg.gather [hbm4b:s1+s3], $0x80, v3, vm0, $0xb8;
	[tilespmem:$0x8080] =	vst v63  }
0x1f: {  	v3 =	vld [tilespmem:$0x10];
	_ =	sdelay $0x4  }
0x20: {  	v49 =	vshll.u32 v3, $0x1  }
0x21: {  	v3 =	vand.u32 $0x7, v3;
	v4 =	vand.u32 $0xFFFFFFF0, v49  }
0x22: {  	v3 =	vor.u32 v3, v4  }
0x23: {  	v4 =	vperm.xlane v3, v0;
	_ =	sdelay $0x1  }
0x24: {  	v3 =	vperm.xlane v3, v2;
	v4 =	vadd.s32 v1, v4;
	_ =	sdelay $0x1  }
0x25: {  	v3 =	vadd.s32 v1, v3;
	_ =	sdelay $0x2  }
0x26: {  	[tilespmem:s12], [sflag:$0x1] =	stream.indirect_vreg.gather [hbm4b:s1+s3], $0x80, v4, vm0, $0xb8;
	[tilespmem:$0x8080] =	vst v63  }
0x27: {  	_ = 	snop  }
0x28: {  	[tilespmem:s13], [sflag:$0x1] =	stream.indirect_vreg.gather [hbm4b:s1+s3], $0x80, v3, vm0, $0xb8;
	[tilespmem:$0x8080] =	vst v63  }
0x29: {  	v3 =	vld [tilespmem:$0x20];
	_ =	sdelay $0x4  }
0x2a: {  	v50 =	vshll.u32 v3, $0x1  }
0x2b: {  	v3 =	vand.u32 $0x7, v3;
	v4 =	vand.u32 $0xFFFFFFF0, v50  }
0x2c: {  	v3 =	vor.u32 v3, v4  }
0x2d: {  	v4 =	vperm.xlane v3, v0;
	_ =	sdelay $0x1  }
0x2e: {  	v3 =	vperm.xlane v3, v2;
	v4 =	vadd.s32 v1, v4;
	_ =	sdelay $0x1  }
0x2f: {  	v3 =	vadd.s32 v1, v3;
	_ =	sdelay $0x2  }
0x30: {  	[tilespmem:s14], [sflag:$0x1] =	stream.indirect_vreg.gather [hbm4b:s1+s3], $0x80, v4, vm0, $0xb8;
	[tilespmem:$0x8080] =	vst v63  }
0x31: {  	_ = 	snop  }
0x32: {  	[tilespmem:s15], [sflag:$0x1] =	stream.indirect_vreg.gather [hbm4b:s1+s3], $0x80, v3, vm0, $0xb8;
	[tilespmem:$0x8080] =	vst v63  }
0x33: {  	v3 =	vld [tilespmem:$0x30];
	_ =	sdelay $0x4  }
0x34: {  	v51 =	vshll.u32 v3, $0x1  }
0x35: {  	v3 =	vand.u32 $0x7, v3;
	v4 =	vand.u32 $0xFFFFFFF0, v51  }
0x36: {  	v3 =	vor.u32 v3, v4  }
0x37: {  	v4 =	vperm.xlane v3, v0;
	_ =	sdelay $0x1  }
0x38: {  	v3 =	vperm.xlane v3, v2;
	v4 =	vadd.s32 v1, v4;
	_ =	sdelay $0x1  }
0x39: {  	v3 =	vadd.s32 v1, v3;
	_ =	sdelay $0x2  }
0x3a: {  	[tilespmem:s16], [sflag:$0x1] =	stream.indirect_vreg.gather [hbm4b:s1+s3], $0x80, v4, vm0, $0xb8;
	[tilespmem:$0x8080] =	vst v63  }
0x3b: {  	_ = 	snop  }
0x3c: {  	[tilespmem:s17], [sflag:$0x1] =	stream.indirect_vreg.gather [hbm4b:s1+s3], $0x80, v3, vm0, $0xb8;
	[tilespmem:$0x8080] =	vst v63  }
0x3d: {  	v3 =	vld [tilespmem:$0x40];
	_ =	sdelay $0x4  }
0x3e: {  	v52 =	vshll.u32 v3, $0x1  }
0x3f: {  	v3 =	vand.u32 $0x7, v3;
	v4 =	vand.u32 $0xFFFFFFF0, v52  }
0x40: {  	v3 =	vor.u32 v3, v4  }
0x41: {  	v4 =	vperm.xlane v3, v0;
	_ =	sdelay $0x1  }
0x42: {  	v3 =	vperm.xlane v3, v2;
	v4 =	vadd.s32 v1, v4;
	_ =	sdelay $0x1  }
0x43: {  	v3 =	vadd.s32 v1, v3;
	_ =	sdelay $0x2  }
0x44: {  	[tilespmem:s18], [sflag:$0x1] =	stream.indirect_vreg.gather [hbm4b:s1+s3], $0x80, v4, vm0, $0xb8;
	[tilespmem:$0x8080] =	vst v63  }
0x45: {  	_ = 	snop  }
0x46: {  	[tilespmem:s19], [sflag:$0x1] =	stream.indirect_vreg.gather [hbm4b:s1+s3], $0x80, v3, vm0, $0xb8;
	[tilespmem:$0x8080] =	vst v63  }
0x47: {  	v3 =	vld [tilespmem:$0x50];
	_ =	sdelay $0x4  }
0x48: {  	v53 =	vshll.u32 v3, $0x1  }
0x49: {  	v3 =	vand.u32 $0x7, v3;
	v4 =	vand.u32 $0xFFFFFFF0, v53  }
0x4a: {  	v3 =	vor.u32 v3, v4  }
0x4b: {  	v4 =	vperm.xlane v3, v0;
	_ =	sdelay $0x1  }
0x4c: {  	v3 =	vperm.xlane v3, v2;
	v4 =	vadd.s32 v1, v4;
	_ =	sdelay $0x1  }
0x4d: {  	v3 =	vadd.s32 v1, v3;
	_ =	sdelay $0x2  }
0x4e: {  	[tilespmem:s20], [sflag:$0x1] =	stream.indirect_vreg.gather [hbm4b:s1+s3], $0x80, v4, vm0, $0xb8;
	[tilespmem:$0x8080] =	vst v63  }
0x4f: {  	_ = 	snop  }
0x50: {  	[tilespmem:s21], [sflag:$0x1] =	stream.indirect_vreg.gather [hbm4b:s1+s3], $0x80, v3, vm0, $0xb8;
	[tilespmem:$0x8080] =	vst v63  }
0x51: {  	v3 =	vld [tilespmem:$0x60];
	_ =	sdelay $0x4  }
0x52: {  	v54 =	vshll.u32 v3, $0x1  }
0x53: {  	v3 =	vand.u32 $0x7, v3;
	v4 =	vand.u32 $0xFFFFFFF0, v54  }
0x54: {  	v3 =	vor.u32 v3, v4  }
0x55: {  	v4 =	vperm.xlane v3, v0;
	_ =	sdelay $0x1  }
0x56: {  	v3 =	vperm.xlane v3, v2;
	v4 =	vadd.s32 v1, v4;
	_ =	sdelay $0x1  }
0x57: {  	v3 =	vadd.s32 v1, v3;
	_ =	sdelay $0x2  }
0x58: {  	[tilespmem:s22], [sflag:$0x1] =	stream.indirect_vreg.gather [hbm4b:s1+s3], $0x80, v4, vm0, $0xb8;
	[tilespmem:$0x8080] =	vst v63  }
0x59: {  	_ = 	snop  }
0x5a: {  	[tilespmem:s23], [sflag:$0x1] =	stream.indirect_vreg.gather [hbm4b:s1+s3], $0x80, v3, vm0, $0xb8;
	[tilespmem:$0x8080] =	vst v63  }
0x5b: {  	v3 =	vld [tilespmem:$0x70];
	_ =	sdelay $0x4  }
0x5c: {  	v55 =	vshll.u32 v3, $0x1  }
0x5d: {  	v3 =	vand.u32 $0x7, v3;
	v4 =	vand.u32 $0xFFFFFFF0, v55  }
0x5e: {  	v3 =	vor.u32 v3, v4  }
0x5f: {  	v4 =	vperm.xlane v3, v0;
	_ =	sdelay $0x1  }
0x60: {  	v3 =	vperm.xlane v3, v2;
	v4 =	vadd.s32 v1, v4;
	_ =	sdelay $0x1  }
0x61: {  	v3 =	vadd.s32 v1, v3;
	_ =	sdelay $0x2  }
0x62: {  	[tilespmem:s24], [sflag:$0x1] =	stream.indirect_vreg.gather [hbm4b:s1+s3], $0x80, v4, vm0, $0xb8;
	[tilespmem:$0x8080] =	vst v63  }
0x63: {  	_ = 	snop  }
0x64: {  	[tilespmem:s25], [sflag:$0x1] =	stream.indirect_vreg.gather [hbm4b:s1+s3], $0x80, v3, vm0, $0xb8;
	[tilespmem:$0x8080] =	vst v63  }
0x65: {  	_ =	swait.ge [sflag:s26], $0x8000  }
0x66: {  	[sflag:s26] =	ssyncset.done $0x0  }
0x67: {  	[sflag:s26] =	ssyncadd.s32 $0xFFFF8000  }
0x68: {  	[hbm4b:s5+s3] =	stream.linear.scatter [tilespmem:s10], [sflag:$0x2], $0x8000, $0x38;
	[tilespmem:$0x8080] =	vst v63  }
0x69: {  	_ =	swait.ge [sflag:s9], $0x8000  }
0x6a: {  	[sflag:s9] =	ssyncset.done $0x0  }
0x6b: {  	[sflag:s9] =	ssyncadd.s32 $0xFFFF8000  }
0x6c: {  	[tilespmem:s3], [sflag:$0x2] =	stream.linear.gather [hbm4b:s6+s3], $0x80, $0x38;
	[tilespmem:$0x8080] =	vst v63  }
0x6d: {  	_ =	swait.ge [sflag:s9], $0x80  }
0x6e: {  	[sflag:s9] =	ssyncset.done $0x0  }
0x6f: {  	[sflag:s9] =	ssyncadd.s32 $0xFFFFFF80  }
0x70: {  	v3 =	vld [tilespmem:$0x0];
	_ =	sdelay $0x4  }
0x71: {  	v56 =	vshll.u32 v3, $0x1  }
0x72: {  	v3 =	vand.u32 $0x7, v3;
	v4 =	vand.u32 $0xFFFFFFF0, v56  }
0x73: {  	v3 =	vor.u32 v3, v4  }
0x74: {  	v4 =	vperm.xlane v3, v0;
	_ =	sdelay $0x1  }
0x75: {  	v3 =	vperm.xlane v3, v2;
	v4 =	vadd.s32 v1, v4;
	_ =	sdelay $0x1  }
0x76: {  	v3 =	vadd.s32 v1, v3;
	_ =	sdelay $0x2  }
0x77: {  	[tilespmem:s10], [sflag:$0x1] =	stream.indirect_vreg.gather [hbm4b:s1+s3], $0x80, v4, vm0, $0xb8;
	[tilespmem:$0x8080] =	vst v63  }
0x78: {  	_ = 	snop  }
0x79: {  	[tilespmem:s11], [sflag:$0x1] =	stream.indirect_vreg.gather [hbm4b:s1+s3], $0x80, v3, vm0, $0xb8;
	[tilespmem:$0x8080] =	vst v63  }
0x7a: {  	v3 =	vld [tilespmem:$0x10];
	_ =	sdelay $0x4  }
0x7b: {  	v57 =	vshll.u32 v3, $0x1  }
0x7c: {  	v3 =	vand.u32 $0x7, v3;
	v4 =	vand.u32 $0xFFFFFFF0, v57  }
0x7d: {  	v3 =	vor.u32 v3, v4  }
0x7e: {  	v4 =	vperm.xlane v3, v0;
	_ =	sdelay $0x1  }
0x7f: {  	v3 =	vperm.xlane v3, v2;
	v4 =	vadd.s32 v1, v4;
	_ =	sdelay $0x1  }
0x80: {  	v3 =	vadd.s32 v1, v3;
	_ =	sdelay $0x2  }
0x81: {  	[tilespmem:s12], [sflag:$0x1] =	stream.indirect_vreg.gather [hbm4b:s1+s3], $0x80, v4, vm0, $0xb8;
	[tilespmem:$0x8080] =	vst v63  }
0x82: {  	_ = 	snop  }
0x83: {  	[tilespmem:s13], [sflag:$0x1] =	stream.indirect_vreg.gather [hbm4b:s1+s3], $0x80, v3, vm0, $0xb8;
	[tilespmem:$0x8080] =	vst v63  }
0x84: {  	v3 =	vld [tilespmem:$0x20];
	_ =	sdelay $0x4  }
0x85: {  	v58 =	vshll.u32 v3, $0x1  }
0x86: {  	v3 =	vand.u32 $0x7, v3;
	v4 =	vand.u32 $0xFFFFFFF0, v58  }
0x87: {  	v3 =	vor.u32 v3, v4  }
0x88: {  	v4 =	vperm.xlane v3, v0;
	_ =	sdelay $0x1  }
0x89: {  	v3 =	vperm.xlane v3, v2;
	v4 =	vadd.s32 v1, v4;
	_ =	sdelay $0x1  }
0x8a: {  	v3 =	vadd.s32 v1, v3;
	_ =	sdelay $0x2  }
0x8b: {  	[tilespmem:s14], [sflag:$0x1] =	stream.indirect_vreg.gather [hbm4b:s1+s3], $0x80, v4, vm0, $0xb8;
	[tilespmem:$0x8080] =	vst v63  }
0x8c: {  	_ = 	snop  }
0x8d: {  	[tilespmem:s15], [sflag:$0x1] =	stream.indirect_vreg.gather [hbm4b:s1+s3], $0x80, v3, vm0, $0xb8;
	[tilespmem:$0x8080] =	vst v63  }
0x8e: {  	v3 =	vld [tilespmem:$0x30];
	_ =	sdelay $0x4  }
0x8f: {  	v59 =	vshll.u32 v3, $0x1  }
0x90: {  	v3 =	vand.u32 $0x7, v3;
	v4 =	vand.u32 $0xFFFFFFF0, v59  }
0x91: {  	v3 =	vor.u32 v3, v4  }
0x92: {  	v4 =	vperm.xlane v3, v0;
	_ =	sdelay $0x1  }
0x93: {  	v3 =	vperm.xlane v3, v2;
	v4 =	vadd.s32 v1, v4;
	_ =	sdelay $0x1  }
0x94: {  	v3 =	vadd.s32 v1, v3;
	_ =	sdelay $0x2  }
0x95: {  	[tilespmem:s16], [sflag:$0x1] =	stream.indirect_vreg.gather [hbm4b:s1+s3], $0x80, v4, vm0, $0xb8;
	[tilespmem:$0x8080] =	vst v63  }
0x96: {  	_ = 	snop  }
0x97: {  	[tilespmem:s17], [sflag:$0x1] =	stream.indirect_vreg.gather [hbm4b:s1+s3], $0x80, v3, vm0, $0xb8;
	[tilespmem:$0x8080] =	vst v63  }
0x98: {  	v3 =	vld [tilespmem:$0x40];
	_ =	sdelay $0x4  }
0x99: {  	v60 =	vshll.u32 v3, $0x1  }
0x9a: {  	v3 =	vand.u32 $0x7, v3;
	v4 =	vand.u32 $0xFFFFFFF0, v60  }
0x9b: {  	v3 =	vor.u32 v3, v4  }
0x9c: {  	v4 =	vperm.xlane v3, v0;
	_ =	sdelay $0x1  }
0x9d: {  	v3 =	vperm.xlane v3, v2;
	v4 =	vadd.s32 v1, v4;
	_ =	sdelay $0x1  }
0x9e: {  	v3 =	vadd.s32 v1, v3;
	_ =	sdelay $0x2  }
0x9f: {  	[tilespmem:s18], [sflag:$0x1] =	stream.indirect_vreg.gather [hbm4b:s1+s3], $0x80, v4, vm0, $0xb8;
	[tilespmem:$0x8080] =	vst v63  }
0xa0: {  	_ = 	snop  }
0xa1: {  	[tilespmem:s19], [sflag:$0x1] =	stream.indirect_vreg.gather [hbm4b:s1+s3], $0x80, v3, vm0, $0xb8;
	[tilespmem:$0x8080] =	vst v63  }
0xa2: {  	v3 =	vld [tilespmem:$0x50];
	_ =	sdelay $0x4  }
0xa3: {  	v61 =	vshll.u32 v3, $0x1  }
0xa4: {  	v3 =	vand.u32 $0x7, v3;
	v4 =	vand.u32 $0xFFFFFFF0, v61  }
0xa5: {  	v3 =	vor.u32 v3, v4  }
0xa6: {  	v4 =	vperm.xlane v3, v0;
	_ =	sdelay $0x1  }
0xa7: {  	v3 =	vperm.xlane v3, v2;
	v4 =	vadd.s32 v1, v4;
	_ =	sdelay $0x1  }
0xa8: {  	v3 =	vadd.s32 v1, v3;
	_ =	sdelay $0x2  }
0xa9: {  	[tilespmem:s20], [sflag:$0x1] =	stream.indirect_vreg.gather [hbm4b:s1+s3], $0x80, v4, vm0, $0xb8;
	[tilespmem:$0x8080] =	vst v63  }
0xaa: {  	_ = 	snop  }
0xab: {  	[tilespmem:s21], [sflag:$0x1] =	stream.indirect_vreg.gather [hbm4b:s1+s3], $0x80, v3, vm0, $0xb8;
	[tilespmem:$0x8080] =	vst v63  }
0xac: {  	v3 =	vld [tilespmem:$0x60];
	_ =	sdelay $0x4  }
0xad: {  	v62 =	vshll.u32 v3, $0x1  }
0xae: {  	v3 =	vand.u32 $0x7, v3;
	v4 =	vand.u32 $0xFFFFFFF0, v62  }
0xaf: {  	v3 =	vor.u32 v3, v4  }
0xb0: {  	v4 =	vperm.xlane v3, v0;
	_ =	sdelay $0x1  }
0xb1: {  	v3 =	vperm.xlane v3, v2;
	v4 =	vadd.s32 v1, v4;
	_ =	sdelay $0x1  }
0xb2: {  	v3 =	vadd.s32 v1, v3;
	_ =	sdelay $0x2  }
0xb3: {  	[tilespmem:s22], [sflag:$0x1] =	stream.indirect_vreg.gather [hbm4b:s1+s3], $0x80, v4, vm0, $0xb8;
	[tilespmem:$0x8080] =	vst v63  }
0xb4: {  	_ = 	snop  }
0xb5: {  	[tilespmem:s23], [sflag:$0x1] =	stream.indirect_vreg.gather [hbm4b:s1+s3], $0x80, v3, vm0, $0xb8;
	[tilespmem:$0x8080] =	vst v63  }
0xb6: {  	v3 =	vld [tilespmem:$0x70];
	_ =	sdelay $0x4  }
0xb7: {  	v63 =	vshll.u32 v3, $0x1  }
0xb8: {  	v3 =	vand.u32 $0x7, v3;
	v4 =	vand.u32 $0xFFFFFFF0, v63  }
0xb9: {  	v3 =	vor.u32 v3, v4  }
0xba: {  	v4 =	vperm.xlane v3, v0;
	_ =	sdelay $0x1  }
0xbb: {  	v3 =	vperm.xlane v3, v2;
	v4 =	vadd.s32 v1, v4;
	_ =	sdelay $0x1  }
0xbc: {  	v3 =	vadd.s32 v1, v3;
	_ =	sdelay $0x2  }
0xbd: {  	[tilespmem:s24], [sflag:$0x1] =	stream.indirect_vreg.gather [hbm4b:s1+s3], $0x80, v4, vm0, $0xb8;
	[tilespmem:$0x8080] =	vst v63  }
0xbe: {  	_ = 	snop  }
0xbf: {  	[tilespmem:s25], [sflag:$0x1] =	stream.indirect_vreg.gather [hbm4b:s1+s3], $0x80, v3, vm0, $0xb8;
	[tilespmem:$0x8080] =	vst v63  }
0xc0: {  	_ =	swait.ge [sflag:s26], $0x8000  }
0xc1: {  	p0 =	sne.s32 s8, $0x1;
	[sflag:s26] =	ssyncset.done $0x0  }
.Ltmp0:
0xc2: {  	[sflag:s26] =	ssyncadd.s32 $0xFFFF8000;
	(pc) =	sbr.rel @p0 .LBB2_1-.Ltmp0, $4  }
0xc3: {  	[hbm4b:s7+s3] =	stream.linear.scatter [tilespmem:s10], [sflag:$0x2], $0x8000, $0x38;
	[tilespmem:$0x8080] =	vst v63  }
0xc4: {  	_ =	swait.ge [sflag:s9], $0x8000  }
0xc5: {  	[sflag:s9] =	ssyncset.done $0x0  }
0xc6: {  	s8 =	sadd.s32 $0xFFFFFFFF, s8;
	[sflag:s9] =	ssyncadd.s32 $0xFFFF8000  }
0xc7: {  	_ =	sfence.sel $0x180000  }
0xc8: {  	[bflag:$0x0] =	sbarrier.arrive $0xFFFF  }
0xc9: {  	p0 =	sne.s32 s2, $0x0;
	_ =	strace $0x90000047  }
0xca: {  	s0 =	sadd.s32 @!p0 $0x100000, s0;
	[bflag:$0x2] =	sbarrier.arrive $0xFFFF  }
0xcb: {  	[sflag:s0] =	ssyncadd.tile.s32 @!p0 $0x1;
	_ =	shalt  }
.Lfunc_end2:
_tile_overlayer_lowered:
.L_overlay_start_2:
0xcc: {  	(tag) =	ssettag $0x2  }
0xcd: {  	s0 =	rddreg [dreg:$0x0];
	s2 =	stileid.u32  }
0xce: {  	s1 =	rddreg [dreg:$0x1];
	p0 =	sne.s32 s2, $0x0  }
0xcf: {  	s3 =	rddreg [dreg:$0x2];
	[bflag:$0x3] =	sbarrier.arrive $0xFFFF;
	s2 =	simm.s32 @!p0 $0x1C02  }
0xd0: {  	[timem:s3], [sflag:s2] =	dma.local @!p0 [hbm:s0], s1  }
0xd1: {  	s0 =	simm.s32 @!p0 $0x2  }
0xd2: {  	_ =	swait.ge @!p0 [sflag:s0], s1  }
0xd3: {  	s1 =	ssub.s32 @!p0 $0x0, s1;
	[sflag:s0] =	ssyncset.done @!p0 $0x0  }
0xd4: {  	[sflag:s0] =	ssyncadd.s32 @!p0 s1  }
0xd5: {  	[bflag:$0x3] =	sbarrier.arrive $0xFFFF  }
0xd6: {  	_ =	shalt  }

// kernel: kernel.7.cloned.1.call-start
scs
__scs_entry_jumppad:
0x0: {  	(pc) =	sbr.rel $0x88, $3  }
0x1: {  	(tag) =	ssettag $0x0;
	lr =	simm.s32 $0x1  }
0x2: {  	[smem:$0x3F9F] =	sst lr;
	_ =	strace $0xD0000000  }
0x3: {  	_ = 	snop  }
0x4: {  	_ = 	snop  }
0x5: {  	_ = 	snop  }
0x6: {  	_ = 	snop  }
0x7: {  	_ = 	snop  }
__scs_overlays_trampoline_lowered:
0x8: {  	[smem:$0x3FAE] =	sst s0  }
0x9: {  	[smem:$0x3FAF] =	sst s1  }
0xa: {  	[smem:$0x3FB0] =	sst s2  }
0xb: {  	[smem:$0x3FB1] =	sst s3  }
0xc: {  	[smem:$0x3FB2] =	sst s4  }
0xd: {  	[smem:$0x3FB3] =	sst s5  }
0xe: {  	[smem:$0x3FB4] =	sst s6  }
0xf: {  	[smem:$0x3FB5] =	sst s7  }
0x10: {  	[smem:$0x3FB6] =	sst s8  }
0x11: {  	[smem:$0x3FB7] =	sst s9;
	s0 =	simm.s32 @!p0 $0x0  }
0x12: {  	s1 =	sld [smem:$0x3F9D];
	s0 =	simm.s32 @p0 $0x1  }
0x13: {  	[smem:$0x3FB8] =	sst s0;
	s0 =	simm.s32 @!p1 $0x0  }
0x14: {  	s2 =	sld [smem:$0x3F9C];
	s0 =	simm.s32 @p1 $0x1  }
0x15: {  	[smem:$0x3FB9] =	sst s0;
	s0 =	simm.s32 @!p2 $0x0  }
0x16: {  	s3 =	sld [smem:$0x3FDB];
	s0 =	simm.s32 @p2 $0x1  }
0x17: {  	s4 =	simm.s32 $0x1BF5;
	[smem:$0x3FBB] =	sst s0  }
0x18: {  	s0 =	sld [smem:$0x3F9E];
	_ =	swait.ge [sflag:s4], $0x0  }
0x19: {  	s7 =	sld [smem:$0x3F9F]  }
0x1a: {  	s8 =	sadd.s32 $0xFFFFE003, lr  }
0x1b: {  	s9 =	sadd.s32 $0xFFFFFEF7, lr;
	s5 =	simm.s32 $0xFFFFFFFF;
	p2 =	slt.u32 s8, $0xFFFFF086  }
0x1c: {  	p1 =	slt.u32 s9, $0xF7A;
	s5 =	simm.s32 @!p2 $0x0  }
0x1d: {  	s5 =	simm.s32 @p1 $0x1;
	p0 =	seq.s32 s7, s2  }
0x1e: {  	s7 =	smul.u32 @!p0 $0xF7A, s2;
	p2 =	seq.s32 @!p0 s5, $0x0  }
0x1f: {  	s9 =	smul.u32 $0xF7A, s1;
	s8 =	simm.s32 @!p0 $0x1BF5;
	p2 =	por !p2, p0  }
0x20: {  	[sflag:s8] =	ssyncset.s32 @!p0 $0xFFFFF086;
	s6 =	sadd.s32 @!p0 s3, s7;
	s7 =	simm.s32 @!p0 $0x108  }
0x21: {  	s3 =	sadd.s32 s3, s9;
	s6 =	sadd.s32 @!p0 $0x88, s6;
	s7 =	simm.s32 @p2 $0x1082  }
0x22: {  	[simem:s7], [sflag:s8] =	dma.local @!p0 [hbm:s6], $0xF7A  }
0x23: {  	s9 =	sor.u32 $0xD0000000, s2;
	s6 =	simm.s32 $0x108;
	_ =	swait.ge @!p0 [sflag:s8], $0x0  }
0x24: {  	s3 =	sadd.s32 $0x88, s3;
	s6 =	simm.s32 @!p1 $0x1082;
	[sflag:s4] =	ssyncset.s32 $0xFFFFF086  }
0x25: {  	[simem:s6], [sflag:s4] =	dma.local [hbm:s3], $0xF7A  }
0x26: {  	[smem:$0x3F9F] =	sst s1;
	(tag) =	ssettag s2;
	_ =	strace s9  }
0x27: {  	s1 =	sld [smem:$0x3FAF]  }
0x28: {  	s2 =	sld [smem:$0x3FB0]  }
0x29: {  	s4 =	sld [smem:$0x3FB2]  }
0x2a: {  	p0 =	seq.s32 s5, $0x0;
	s5 =	sld [smem:$0x3FB3]  }
0x2b: {  	s6 =	sld [smem:$0x3FB4]  }
0x2c: {  	s7 =	sld [smem:$0x3FB5]  }
0x2d: {  	s3 =	simm.s32 $0x108;
	s8 =	sld [smem:$0x3FB6]  }
0x2e: {  	s3 =	simm.s32 @!p0 $0x1082;
	s9 =	sld [smem:$0x3FB7]  }
0x2f: {  	lr =	sadd.s32 s0, s3;
	s0 =	sld [smem:$0x3FAE]  }
0x30: {  	s3 =	sld [smem:$0x3FB1]  }
0x31: {  	[smem:$0x3FBA] =	sst s10  }
0x32: {  	s10 =	sld [smem:$0x3FB8];
	_ =	sdelay $0x3  }
0x33: {  	p0 =	seq.s32 s10, $0x1;
	s10 =	sld [smem:$0x3FBA];
	_ =	sdelay $0x3  }
0x34: {  	[smem:$0x3FBA] =	sst s10  }
0x35: {  	s10 =	sld [smem:$0x3FB9];
	_ =	sdelay $0x3  }
0x36: {  	p1 =	seq.s32 s10, $0x1;
	s10 =	sld [smem:$0x3FBA];
	_ =	sdelay $0x3  }
0x37: {  	[smem:$0x3FBA] =	sst s10  }
0x38: {  	s10 =	sld [smem:$0x3FBB]  }
0x39: {  	_ = 	snop;
	(pc) =	sbr.ind lr, $3  }
0x3a: {  	_ = 	snop  }
0x3b: {  	_ = 	snop  }
0x3c: {  	p2 =	seq.s32 s10, $0x1;
	s10 =	sld [smem:$0x3FBA]  }
0x3d: {  	_ =	shalt  }
0x3e: {  	_ =	shalt  }
0x3f: {  	_ =	shalt  }
0x40: {  	_ =	shalt  }
0x41: {  	_ =	shalt  }
0x42: {  	_ =	shalt  }
0x43: {  	_ =	shalt  }
0x44: {  	_ =	shalt  }
0x45: {  	_ =	shalt  }
0x46: {  	_ =	shalt  }
0x47: {  	_ =	shalt  }
0x48: {  	_ =	shalt  }
0x49: {  	_ =	shalt  }
0x4a: {  	_ =	shalt  }
0x4b: {  	_ =	shalt  }
0x4c: {  	_ =	shalt  }
0x4d: {  	_ =	shalt  }
0x4e: {  	_ =	shalt  }
0x4f: {  	_ =	shalt  }
0x50: {  	_ =	shalt  }
0x51: {  	_ =	shalt  }
0x52: {  	_ =	shalt  }
0x53: {  	_ =	shalt  }
0x54: {  	_ =	shalt  }
0x55: {  	_ =	shalt  }
0x56: {  	_ =	shalt  }
0x57: {  	_ =	shalt  }
0x58: {  	_ =	shalt  }
0x59: {  	_ =	shalt  }
0x5a: {  	_ =	shalt  }
0x5b: {  	_ =	shalt  }
0x5c: {  	_ =	shalt  }
0x5d: {  	_ =	shalt  }
0x5e: {  	_ =	shalt  }
0x5f: {  	_ =	shalt  }
0x60: {  	_ =	shalt  }
0x61: {  	_ =	shalt  }
0x62: {  	_ =	shalt  }
0x63: {  	_ =	shalt  }
0x64: {  	_ =	shalt  }
0x65: {  	_ =	shalt  }
0x66: {  	_ =	shalt  }
0x67: {  	_ =	shalt  }
0x68: {  	_ =	shalt  }
0x69: {  	_ =	shalt  }
0x6a: {  	_ =	shalt  }
0x6b: {  	_ =	shalt  }
0x6c: {  	_ =	shalt  }
0x6d: {  	_ =	shalt  }
0x6e: {  	_ =	shalt  }
0x6f: {  	_ =	shalt  }
0x70: {  	_ =	shalt  }
0x71: {  	_ =	shalt  }
0x72: {  	_ =	shalt  }
0x73: {  	_ =	shalt  }
0x74: {  	_ =	shalt  }
0x75: {  	_ =	shalt  }
0x76: {  	_ =	shalt  }
0x77: {  	_ =	shalt  }
0x78: {  	_ =	shalt  }
0x79: {  	_ =	shalt  }
0x7a: {  	_ =	shalt  }
0x7b: {  	_ =	shalt  }
0x7c: {  	_ =	shalt  }
0x7d: {  	_ =	shalt  }
0x7e: {  	_ =	shalt  }
0x7f: {  	_ =	shalt  }
0x80: {  	_ =	shalt  }
0x81: {  	_ =	shalt  }
0x82: {  	_ =	shalt  }
0x83: {  	_ =	shalt  }
0x84: {  	_ =	shalt  }
0x85: {  	_ =	shalt  }
0x86: {  	_ =	shalt  }
0x87: {  	_ =	shalt  }
.Lfunc_end0:
.L_simem_size_0:
called_computation_lowered:
.L_overlay_start_0:
0x88: {  	s2 =	sld [smem:$0x3FD9]  }
0x89: {  	s3 =	sld [smem:$0x3FFE];
	_ =	sdelay $0x1  }
0x8a: {  	s1 =	srdreg.scid  }
0x8b: {  	s0 =	sand.u32 $0x1, s1  }
0x8c: {  	s15 =	sshll.u32 s0, $0xA;
	s2 =	sadd.s32 s3, s2  }
0x8d: {  	s2 =	sadd.s32 s2, s15  }
0x8e: {  	[smem:$0x3FC6] =	sst s2  }
0x8f: {  	_ = 	snop  }
0x90: {  	s16 =	sld [smem:$0x3FD0];
	_ =	sdelay $0x2  }
0x91: {  	s4 =	simm.s32 $0xB;
	s5 =	simm.s32 $0x10;
	s2 =	sld [smem:$0x3FC8]  }
0x92: {  	[smem:s5], [sflag:s4] =	dma.local [hbm:s16], $0x1  }
0x93: {  	_ =	swait.eq [sflag:s4], $0x1  }
0x94: {  	[sflag:s4] =	ssyncset.done $0x0  }
0x95: {  	[sflag:s4] =	ssyncadd.s32 $0xFFFFFFFF  }
0x96: {  	s17 =	sld [smem:$0x10];
	(tm) =	ssettm $0x1  }
0x97: {  	s18 =	sld [smem:$0x3FFB];
	_ =	sdelay $0x3  }
0x98: {  	_ =	strace s18  }
0x99: {  	s3 =	sld [smem:$0x3FFC];
	_ =	sdelay $0x3  }
0x9a: {  	_ =	strace s3  }
0x9b: {  	s3 =	sld [smem:$0x3FFD];
	_ =	sdelay $0x3  }
0x9c: {  	_ =	strace s3  }
0x9d: {  	_ =	strace $0x8FFFFFFF  }
0x9e: {  	s19 =	sld [smem:$0x3FDB];
	_ =	sdelay $0x1  }
0x9f: {  	s20 =	simm.s32 $_scs_section_size  }
0xa0: {  	s6 =	simm.s32 $_size__tile_overlayer_lowered;
	s7 =	simm.s32 $_tile_overlayer_lowered  }
0xa1: {  	s8 =	simm.s32 $0x1BFF;
	s21 =	sshll.u32 s7, $0x1;
	s5 =	sadd.s32 s20, s19  }
0xa2: {  	s22 =	simm.s32 $0x0;
	s6 =	sshll.u32 s6, $0x1;
	s7 =	sadd.s32 s21, s5  }
0xa3: {  	[timem:s22], [sflag:s8] =	dma.local [hbm:s7], s6  }
0xa4: {  	_ =	swait.ge [sflag:s8], s6  }
0xa5: {  	s6 =	ssub.s32 $0x0, s6;
	[sflag:s8] =	ssyncset.done $0x0  }
0xa6: {  	[sflag:s8] =	ssyncadd.s32 s6;
	_ =	sdelay $0x1  }
0xa7: {  	s23 =	simm.s32 $0x1B8B  }
0xa8: {  	_ =	swait.ge [sflag:s23], $0x1  }
0xa9: {  	[sflag:s23] =	ssyncset.done $0x0  }
0xaa: {  	[sflag:s23] =	ssyncadd.s32 $0xFFFFFFFF  }
0xab: {  	s6 =	sld [smem:$0x0]  }
0xac: {  	s7 =	sand.u32 $0xFFFFFFFE, s1  }
0xad: {  	p0 =	sne.s32 s1, s7  }
0xae: {  	s7 =	sshll.u32 @p0 s7, $0xE  }
0xaf: {  	s7 =	sadd.s32 @p0 $0x11B8D, s7;
	s8 =	sshll.u32 @p0 s6, $0x11  }
0xb0: {  	s7 =	sor.u32 @p0 s8, s7  }
0xb1: {  	[sflag:s7] =	ssyncadd.remote.s32 @p0 $0x1;
	_ =	sdelay $0x1  }
0xb2: {  	s7 =	simm.s32 @p0 $0x1B8D  }
0xb3: {  	_ =	swait.eq @p0 [sflag:s7], $0x1  }
0xb4: {  	[sflag:s7] =	ssyncadd.s32 @p0 $0xFFFFFFFF  }
0xb5: {  	s8 =	sshll.u32 @!p0 s1, $0xE  }
0xb6: {  	s8 =	sor.u32 @!p0 $0x4000, s8;
	s7 =	simm.s32 @!p0 $0x1B8D  }
0xb7: {  	s6 =	sshll.u32 @!p0 s6, $0x11;
	s8 =	sadd.s32 @!p0 $0x11B8D, s8;
	_ =	swait.eq @!p0 [sflag:s7], $0x1  }
0xb8: {  	s6 =	sor.u32 @!p0 s6, s8;
	[sflag:s7] =	ssyncadd.s32 @!p0 $0xFFFFFFFF  }
0xb9: {  	s25 =	simm.s32 $0x1B8E;
	s24 =	sld [smem:$0x3FFE];
	[sflag:s6] =	ssyncadd.remote.s32 @!p0 $0x1  }
0xba: {  	s26 =	simm.s32 $execute0_lowered;
	[smem:$0x3FD2] =	sst s25  }
0xbb: {  	s7 =	sshll.u32 s26, $0x1;
	_ =	strace $0x80000049;
	[dreg:$0x1] =	wrdreg $0xFFFFFFFF  }
0xbc: {  	s28 =	simm.s32 $_size_execute0_lowered;
	s5 =	sadd.s32 s5, s7;
	[dreg:$0x0] =	wrdreg $0x0  }
0xbd: {  	s7 =	sshll.u32 s28, $0x1;
	[dreg:$0x2] =	wrdreg s5  }
0xbe: {  	[dreg:$0x3] =	wrdreg s7  }
0xbf: {  	[dreg:$0x4] =	wrdreg $0xC0  }
0xc0: {  	_ =	task [dreg:s22], $0x5FFFF  }
0xc1: {  	[dreg:$0x1] =	wrdreg $0xFFFFFFFF  }
0xc2: {  	[dreg:$0x0] =	wrdreg $0x60  }
0xc3: {  	[dreg:$0x2] =	wrdreg s2  }
0xc4: {  	[dreg:$0x3] =	wrdreg s17  }
0xc5: {  	[dreg:$0x4] =	wrdreg s24  }
0xc6: {  	[dreg:$0x5] =	wrdreg $0x9  }
0xc7: {  	_ =	task.clear_ibuf [dreg:s22], $0x6FFFF;
	_ =	strace $0x90000049  }
0xc8: {  	s29 =	simm.s32 $0x9;
	_ =	strace $0x8000004B  }
0xc9: {  	_ =	swait.ge [sflag:s29], $0x1  }
0xca: {  	[sflag:s29] =	ssyncadd.s32 $0xFFFFFFFF  }
0xcb: {  	_ =	strace $0x9000004B  }
0xcc: {  	_ =	sfence  }
0xcd: {  	s30 =	sld [smem:$0x0];
	_ =	sdelay $0x2  }
0xce: {  	s31 =	sshll.u32 s1, $0xD;
	s1 =	sshrl.u32 s1, $0x2  }
0xcf: {  	s4 =	sand.u32 $0x4000, s31;
	s1 =	sadd.s32 s1, s30  }
0xd0: {  	s0 =	sor.u32 s4, s0;
	s1 =	sshll.u32 s1, $0x11  }
0xd1: {  	s0 =	sor.u32 s1, s0  }
0xd2: {  	s0 =	sadd.s32 $0x8F2B, s0  }
0xd3: {  	[sflag:s0] =	ssyncadd.remote.s32 $0x1  }
0xd4: {  	_ =	sfence.sel $0xFFFF  }
0xd5: {  	[dreg:$0x0] =	wrdreg $0xFFFFFFFF;
	(pc) =	sbr.abs _section_cstart, $3  }
0xd6: {  	[dreg:$0x1] =	wrdreg $0xFFFFFFFF  }
0xd7: {  	_ =	task.clear_ibuf [dreg:s22], $0x2FFFF;
	_ =	strace $0x9FFFFFFF  }
0xd8: {  	(tm) =	ssettm $0x7FFFFFFF  }
0xd9: {  	_ =	shalt  }
tec
execute0_lowered:
.L_overlay_start_1:
0x0: {  	(tag) =	ssettag $0x1  }
0x1: {  	s1 =	rddreg [dreg:$0x0]  }
0x2: {  	s6 =	rddreg [dreg:$0x1]  }
0x3: {  	s4 =	rddreg [dreg:$0x2]  }
0x4: {  	s0 =	rddreg [dreg:$0x3];
	s3 =	simm.s32 $0x0;
	s5 =	srdreg.scid  }
0x5: {  	s2 =	stileid.u32;
	s11 =	simm.s32 $0x880;
	s12 =	simm.s32 $0x1080  }
0x6: {  	s13 =	simm.s32 $0x1880;
	s14 =	simm.s32 $0x2080;
	s15 =	simm.s32 $0x2880  }
0x7: {  	s16 =	simm.s32 $0x3080;
	s17 =	simm.s32 $0x3880;
	s18 =	simm.s32 $0x4080  }
0x8: {  	s19 =	simm.s32 $0x4880;
	s20 =	simm.s32 $0x5080;
	s21 =	simm.s32 $0x5880  }
0x9: {  	s22 =	simm.s32 $0x6080;
	s23 =	simm.s32 $0x6880;
	s24 =	simm.s32 $0x7080  }
0xa: {  	s25 =	simm.s32 $0x7880;
	s26 =	simm.s32 $0x1;
	s5 =	sand.u32 $0x1, s5  }
0xb: {  	[smem:$0x7FF] =	sst s3;
	s8 =	sshll.u32 s2, $0x9;
	s7 =	ssub.s32 $0x2, s5  }
0xc: {  	s28 =	sadd.s32 $0x40600, s4;
	s5 =	sshll.u32 s5, $0x8;
	s9 =	sshrl.u32 s7, $0x1  }
0xd: {  	_ =	strace $0x8000004A;
	s5 =	sor.u32 s5, s8;
	s9 =	ssub.s32 s7, s9  }
0xe: {  	s29 =	sshrl.u32 s5, $0x3;
	s30 =	sshll.u32 s5, $0x5;
	s10 =	sor.u32 $0x80, s5  }
0xf: {  	v2 =	vlaneseq.u32;
	s4 =	sadd.s32 s6, s29;
	s5 =	sadd.s32 s28, s30;
	s31 =	sshrl.u32 s10, $0x3  }
0x10: {  	vm0 =	vmmov $0xffff;
	v1 =	vshrl.u32 v2, $0x3;
	s10 =	sshll.u32 s10, $0x5;
	s8 =	smax.u32 s9, $0x1;
	s9 =	simm.s32 $0x2  }
0x11: {  	v0 =	vand.u32 $0x7, v2;
	v2 =	vor.u32 $0x8, v2;
	v1 =	vmul.u32 $0x8, v1;
	s6 =	sadd.s32 s6, s31;
	s7 =	sadd.s32 s28, s10;
	s10 =	simm.s32 $0x80  }
.LBB2_1:
0x12: {  	[tilespmem:s3], [sflag:$0x2] =	stream.linear.gather [hbm4b:s4+s3], $0x80, $0x38;
	[tilespmem:$0x8080] =	vst v63  }
0x13: {  	_ =	swait.ge [sflag:s9], $0x80  }
0x14: {  	[sflag:s9] =	ssyncset.done $0x0  }
0x15: {  	[sflag:s9] =	ssyncadd.s32 $0xFFFFFF80  }
0x16: {  	v3 =	vld [tilespmem:$0x0];
	_ =	sdelay $0x4  }
0x17: {  	v4 =	vshll.u32 v3, $0x1  }
0x18: {  	v3 =	vand.u32 $0x7, v3;
	v4 =	vand.u32 $0xFFFFFFF0, v4  }
0x19: {  	v3 =	vor.u32 v3, v4  }
0x1a: {  	v4 =	vperm.xlane v3, v0;
	_ =	sdelay $0x1  }
0x1b: {  	v3 =	vperm.xlane v3, v2;
	v4 =	vadd.s32 v1, v4;
	_ =	sdelay $0x1  }
0x1c: {  	v3 =	vadd.s32 v1, v3;
	_ =	sdelay $0x2  }
0x1d: {  	[tilespmem:s10], [sflag:$0x1] =	stream.indirect_vreg.gather [hbm4b:s1+s3], $0x80, v4, vm0, $0xb8;
	[tilespmem:$0x8080] =	vst v63  }
0x1e: {  	_ = 	snop  }
0x1f: {  	[tilespmem:s11], [sflag:$0x1] =	stream.indirect_vreg.gather [hbm4b:s1+s3], $0x80, v3, vm0, $0xb8;
	[tilespmem:$0x8080] =	vst v63  }
0x20: {  	v3 =	vld [tilespmem:$0x10];
	_ =	sdelay $0x4  }
0x21: {  	v49 =	vshll.u32 v3, $0x1  }
0x22: {  	v3 =	vand.u32 $0x7, v3;
	v4 =	vand.u32 $0xFFFFFFF0, v49  }
0x23: {  	v3 =	vor.u32 v3, v4  }
0x24: {  	v4 =	vperm.xlane v3, v0;
	_ =	sdelay $0x1  }
0x25: {  	v3 =	vperm.xlane v3, v2;
	v4 =	vadd.s32 v1, v4;
	_ =	sdelay $0x1  }
0x26: {  	v3 =	vadd.s32 v1, v3;
	_ =	sdelay $0x2  }
0x27: {  	[tilespmem:s12], [sflag:$0x1] =	stream.indirect_vreg.gather [hbm4b:s1+s3], $0x80, v4, vm0, $0xb8;
	[tilespmem:$0x8080] =	vst v63  }
0x28: {  	_ = 	snop  }
0x29: {  	[tilespmem:s13], [sflag:$0x1] =	stream.indirect_vreg.gather [hbm4b:s1+s3], $0x80, v3, vm0, $0xb8;
	[tilespmem:$0x8080] =	vst v63  }
0x2a: {  	v3 =	vld [tilespmem:$0x20];
	_ =	sdelay $0x4  }
0x2b: {  	v50 =	vshll.u32 v3, $0x1  }
0x2c: {  	v3 =	vand.u32 $0x7, v3;
	v4 =	vand.u32 $0xFFFFFFF0, v50  }
0x2d: {  	v3 =	vor.u32 v3, v4  }
0x2e: {  	v4 =	vperm.xlane v3, v0;
	_ =	sdelay $0x1  }
0x2f: {  	v3 =	vperm.xlane v3, v2;
	v4 =	vadd.s32 v1, v4;
	_ =	sdelay $0x1  }
0x30: {  	v3 =	vadd.s32 v1, v3;
	_ =	sdelay $0x2  }
0x31: {  	[tilespmem:s14], [sflag:$0x1] =	stream.indirect_vreg.gather [hbm4b:s1+s3], $0x80, v4, vm0, $0xb8;
	[tilespmem:$0x8080] =	vst v63  }
0x32: {  	_ = 	snop  }
0x33: {  	[tilespmem:s15], [sflag:$0x1] =	stream.indirect_vreg.gather [hbm4b:s1+s3], $0x80, v3, vm0, $0xb8;
	[tilespmem:$0x8080] =	vst v63  }
0x34: {  	v3 =	vld [tilespmem:$0x30];
	_ =	sdelay $0x4  }
0x35: {  	v51 =	vshll.u32 v3, $0x1  }
0x36: {  	v3 =	vand.u32 $0x7, v3;
	v4 =	vand.u32 $0xFFFFFFF0, v51  }
0x37: {  	v3 =	vor.u32 v3, v4  }
0x38: {  	v4 =	vperm.xlane v3, v0;
	_ =	sdelay $0x1  }
0x39: {  	v3 =	vperm.xlane v3, v2;
	v4 =	vadd.s32 v1, v4;
	_ =	sdelay $0x1  }
0x3a: {  	v3 =	vadd.s32 v1, v3;
	_ =	sdelay $0x2  }
0x3b: {  	[tilespmem:s16], [sflag:$0x1] =	stream.indirect_vreg.gather [hbm4b:s1+s3], $0x80, v4, vm0, $0xb8;
	[tilespmem:$0x8080] =	vst v63  }
0x3c: {  	_ = 	snop  }
0x3d: {  	[tilespmem:s17], [sflag:$0x1] =	stream.indirect_vreg.gather [hbm4b:s1+s3], $0x80, v3, vm0, $0xb8;
	[tilespmem:$0x8080] =	vst v63  }
0x3e: {  	v3 =	vld [tilespmem:$0x40];
	_ =	sdelay $0x4  }
0x3f: {  	v52 =	vshll.u32 v3, $0x1  }
0x40: {  	v3 =	vand.u32 $0x7, v3;
	v4 =	vand.u32 $0xFFFFFFF0, v52  }
0x41: {  	v3 =	vor.u32 v3, v4  }
0x42: {  	v4 =	vperm.xlane v3, v0;
	_ =	sdelay $0x1  }
0x43: {  	v3 =	vperm.xlane v3, v2;
	v4 =	vadd.s32 v1, v4;
	_ =	sdelay $0x1  }
0x44: {  	v3 =	vadd.s32 v1, v3;
	_ =	sdelay $0x2  }
0x45: {  	[tilespmem:s18], [sflag:$0x1] =	stream.indirect_vreg.gather [hbm4b:s1+s3], $0x80, v4, vm0, $0xb8;
	[tilespmem:$0x8080] =	vst v63  }
0x46: {  	_ = 	snop  }
0x47: {  	[tilespmem:s19], [sflag:$0x1] =	stream.indirect_vreg.gather [hbm4b:s1+s3], $0x80, v3, vm0, $0xb8;
	[tilespmem:$0x8080] =	vst v63  }
0x48: {  	v3 =	vld [tilespmem:$0x50];
	_ =	sdelay $0x4  }
0x49: {  	v53 =	vshll.u32 v3, $0x1  }
0x4a: {  	v3 =	vand.u32 $0x7, v3;
	v4 =	vand.u32 $0xFFFFFFF0, v53  }
0x4b: {  	v3 =	vor.u32 v3, v4  }
0x4c: {  	v4 =	vperm.xlane v3, v0;
	_ =	sdelay $0x1  }
0x4d: {  	v3 =	vperm.xlane v3, v2;
	v4 =	vadd.s32 v1, v4;
	_ =	sdelay $0x1  }
0x4e: {  	v3 =	vadd.s32 v1, v3;
	_ =	sdelay $0x2  }
0x4f: {  	[tilespmem:s20], [sflag:$0x1] =	stream.indirect_vreg.gather [hbm4b:s1+s3], $0x80, v4, vm0, $0xb8;
	[tilespmem:$0x8080] =	vst v63  }
0x50: {  	_ = 	snop  }
0x51: {  	[tilespmem:s21], [sflag:$0x1] =	stream.indirect_vreg.gather [hbm4b:s1+s3], $0x80, v3, vm0, $0xb8;
	[tilespmem:$0x8080] =	vst v63  }
0x52: {  	v3 =	vld [tilespmem:$0x60];
	_ =	sdelay $0x4  }
0x53: {  	v54 =	vshll.u32 v3, $0x1  }
0x54: {  	v3 =	vand.u32 $0x7, v3;
	v4 =	vand.u32 $0xFFFFFFF0, v54  }
0x55: {  	v3 =	vor.u32 v3, v4  }
0x56: {  	v4 =	vperm.xlane v3, v0;
	_ =	sdelay $0x1  }
0x57: {  	v3 =	vperm.xlane v3, v2;
	v4 =	vadd.s32 v1, v4;
	_ =	sdelay $0x1  }
0x58: {  	v3 =	vadd.s32 v1, v3;
	_ =	sdelay $0x2  }
0x59: {  	[tilespmem:s22], [sflag:$0x1] =	stream.indirect_vreg.gather [hbm4b:s1+s3], $0x80, v4, vm0, $0xb8;
	[tilespmem:$0x8080] =	vst v63  }
0x5a: {  	_ = 	snop  }
0x5b: {  	[tilespmem:s23], [sflag:$0x1] =	stream.indirect_vreg.gather [hbm4b:s1+s3], $0x80, v3, vm0, $0xb8;
	[tilespmem:$0x8080] =	vst v63  }
0x5c: {  	v3 =	vld [tilespmem:$0x70];
	_ =	sdelay $0x4  }
0x5d: {  	v55 =	vshll.u32 v3, $0x1  }
0x5e: {  	v3 =	vand.u32 $0x7, v3;
	v4 =	vand.u32 $0xFFFFFFF0, v55  }
0x5f: {  	v3 =	vor.u32 v3, v4  }
0x60: {  	v4 =	vperm.xlane v3, v0;
	_ =	sdelay $0x1  }
0x61: {  	v3 =	vperm.xlane v3, v2;
	v4 =	vadd.s32 v1, v4;
	_ =	sdelay $0x1  }
0x62: {  	v3 =	vadd.s32 v1, v3;
	_ =	sdelay $0x2  }
0x63: {  	[tilespmem:s24], [sflag:$0x1] =	stream.indirect_vreg.gather [hbm4b:s1+s3], $0x80, v4, vm0, $0xb8;
	[tilespmem:$0x8080] =	vst v63  }
0x64: {  	_ = 	snop  }
0x65: {  	[tilespmem:s25], [sflag:$0x1] =	stream.indirect_vreg.gather [hbm4b:s1+s3], $0x80, v3, vm0, $0xb8;
	[tilespmem:$0x8080] =	vst v63  }
0x66: {  	_ =	swait.ge [sflag:s26], $0x8000  }
0x67: {  	[sflag:s26] =	ssyncset.done $0x0  }
0x68: {  	[sflag:s26] =	ssyncadd.s32 $0xFFFF8000  }
0x69: {  	[hbm4b:s5+s3] =	stream.linear.scatter [tilespmem:s10], [sflag:$0x2], $0x8000, $0x38;
	[tilespmem:$0x8080] =	vst v63  }
0x6a: {  	_ =	swait.ge [sflag:s9], $0x8000  }
0x6b: {  	[sflag:s9] =	ssyncset.done $0x0  }
0x6c: {  	[sflag:s9] =	ssyncadd.s32 $0xFFFF8000  }
0x6d: {  	[tilespmem:s3], [sflag:$0x2] =	stream.linear.gather [hbm4b:s6+s3], $0x80, $0x38;
	[tilespmem:$0x8080] =	vst v63  }
0x6e: {  	_ =	swait.ge [sflag:s9], $0x80  }
0x6f: {  	[sflag:s9] =	ssyncset.done $0x0  }
0x70: {  	[sflag:s9] =	ssyncadd.s32 $0xFFFFFF80  }
0x71: {  	v3 =	vld [tilespmem:$0x0];
	_ =	sdelay $0x4  }
0x72: {  	v56 =	vshll.u32 v3, $0x1  }
0x73: {  	v3 =	vand.u32 $0x7, v3;
	v4 =	vand.u32 $0xFFFFFFF0, v56  }
0x74: {  	v3 =	vor.u32 v3, v4  }
0x75: {  	v4 =	vperm.xlane v3, v0;
	_ =	sdelay $0x1  }
0x76: {  	v3 =	vperm.xlane v3, v2;
	v4 =	vadd.s32 v1, v4;
	_ =	sdelay $0x1  }
0x77: {  	v3 =	vadd.s32 v1, v3;
	_ =	sdelay $0x2  }
0x78: {  	[tilespmem:s10], [sflag:$0x1] =	stream.indirect_vreg.gather [hbm4b:s1+s3], $0x80, v4, vm0, $0xb8;
	[tilespmem:$0x8080] =	vst v63  }
0x79: {  	_ = 	snop  }
0x7a: {  	[tilespmem:s11], [sflag:$0x1] =	stream.indirect_vreg.gather [hbm4b:s1+s3], $0x80, v3, vm0, $0xb8;
	[tilespmem:$0x8080] =	vst v63  }
0x7b: {  	v3 =	vld [tilespmem:$0x10];
	_ =	sdelay $0x4  }
0x7c: {  	v57 =	vshll.u32 v3, $0x1  }
0x7d: {  	v3 =	vand.u32 $0x7, v3;
	v4 =	vand.u32 $0xFFFFFFF0, v57  }
0x7e: {  	v3 =	vor.u32 v3, v4  }
0x7f: {  	v4 =	vperm.xlane v3, v0;
	_ =	sdelay $0x1  }
0x80: {  	v3 =	vperm.xlane v3, v2;
	v4 =	vadd.s32 v1, v4;
	_ =	sdelay $0x1  }
0x81: {  	v3 =	vadd.s32 v1, v3;
	_ =	sdelay $0x2  }
0x82: {  	[tilespmem:s12], [sflag:$0x1] =	stream.indirect_vreg.gather [hbm4b:s1+s3], $0x80, v4, vm0, $0xb8;
	[tilespmem:$0x8080] =	vst v63  }
0x83: {  	_ = 	snop  }
0x84: {  	[tilespmem:s13], [sflag:$0x1] =	stream.indirect_vreg.gather [hbm4b:s1+s3], $0x80, v3, vm0, $0xb8;
	[tilespmem:$0x8080] =	vst v63  }
0x85: {  	v3 =	vld [tilespmem:$0x20];
	_ =	sdelay $0x4  }
0x86: {  	v58 =	vshll.u32 v3, $0x1  }
0x87: {  	v3 =	vand.u32 $0x7, v3;
	v4 =	vand.u32 $0xFFFFFFF0, v58  }
0x88: {  	v3 =	vor.u32 v3, v4  }
0x89: {  	v4 =	vperm.xlane v3, v0;
	_ =	sdelay $0x1  }
0x8a: {  	v3 =	vperm.xlane v3, v2;
	v4 =	vadd.s32 v1, v4;
	_ =	sdelay $0x1  }
0x8b: {  	v3 =	vadd.s32 v1, v3;
	_ =	sdelay $0x2  }
0x8c: {  	[tilespmem:s14], [sflag:$0x1] =	stream.indirect_vreg.gather [hbm4b:s1+s3], $0x80, v4, vm0, $0xb8;
	[tilespmem:$0x8080] =	vst v63  }
0x8d: {  	_ = 	snop  }
0x8e: {  	[tilespmem:s15], [sflag:$0x1] =	stream.indirect_vreg.gather [hbm4b:s1+s3], $0x80, v3, vm0, $0xb8;
	[tilespmem:$0x8080] =	vst v63  }
0x8f: {  	v3 =	vld [tilespmem:$0x30];
	_ =	sdelay $0x4  }
0x90: {  	v59 =	vshll.u32 v3, $0x1  }
0x91: {  	v3 =	vand.u32 $0x7, v3;
	v4 =	vand.u32 $0xFFFFFFF0, v59  }
0x92: {  	v3 =	vor.u32 v3, v4  }
0x93: {  	v4 =	vperm.xlane v3, v0;
	_ =	sdelay $0x1  }
0x94: {  	v3 =	vperm.xlane v3, v2;
	v4 =	vadd.s32 v1, v4;
	_ =	sdelay $0x1  }
0x95: {  	v3 =	vadd.s32 v1, v3;
	_ =	sdelay $0x2  }
0x96: {  	[tilespmem:s16], [sflag:$0x1] =	stream.indirect_vreg.gather [hbm4b:s1+s3], $0x80, v4, vm0, $0xb8;
	[tilespmem:$0x8080] =	vst v63  }
0x97: {  	_ = 	snop  }
0x98: {  	[tilespmem:s17], [sflag:$0x1] =	stream.indirect_vreg.gather [hbm4b:s1+s3], $0x80, v3, vm0, $0xb8;
	[tilespmem:$0x8080] =	vst v63  }
0x99: {  	v3 =	vld [tilespmem:$0x40];
	_ =	sdelay $0x4  }
0x9a: {  	v60 =	vshll.u32 v3, $0x1  }
0x9b: {  	v3 =	vand.u32 $0x7, v3;
	v4 =	vand.u32 $0xFFFFFFF0, v60  }
0x9c: {  	v3 =	vor.u32 v3, v4  }
0x9d: {  	v4 =	vperm.xlane v3, v0;
	_ =	sdelay $0x1  }
0x9e: {  	v3 =	vperm.xlane v3, v2;
	v4 =	vadd.s32 v1, v4;
	_ =	sdelay $0x1  }
0x9f: {  	v3 =	vadd.s32 v1, v3;
	_ =	sdelay $0x2  }
0xa0: {  	[tilespmem:s18], [sflag:$0x1] =	stream.indirect_vreg.gather [hbm4b:s1+s3], $0x80, v4, vm0, $0xb8;
	[tilespmem:$0x8080] =	vst v63  }
0xa1: {  	_ = 	snop  }
0xa2: {  	[tilespmem:s19], [sflag:$0x1] =	stream.indirect_vreg.gather [hbm4b:s1+s3], $0x80, v3, vm0, $0xb8;
	[tilespmem:$0x8080] =	vst v63  }
0xa3: {  	v3 =	vld [tilespmem:$0x50];
	_ =	sdelay $0x4  }
0xa4: {  	v61 =	vshll.u32 v3, $0x1  }
0xa5: {  	v3 =	vand.u32 $0x7, v3;
	v4 =	vand.u32 $0xFFFFFFF0, v61  }
0xa6: {  	v3 =	vor.u32 v3, v4  }
0xa7: {  	v4 =	vperm.xlane v3, v0;
	_ =	sdelay $0x1  }
0xa8: {  	v3 =	vperm.xlane v3, v2;
	v4 =	vadd.s32 v1, v4;
	_ =	sdelay $0x1  }
0xa9: {  	v3 =	vadd.s32 v1, v3;
	_ =	sdelay $0x2  }
0xaa: {  	[tilespmem:s20], [sflag:$0x1] =	stream.indirect_vreg.gather [hbm4b:s1+s3], $0x80, v4, vm0, $0xb8;
	[tilespmem:$0x8080] =	vst v63  }
0xab: {  	_ = 	snop  }
0xac: {  	[tilespmem:s21], [sflag:$0x1] =	stream.indirect_vreg.gather [hbm4b:s1+s3], $0x80, v3, vm0, $0xb8;
	[tilespmem:$0x8080] =	vst v63  }
0xad: {  	v3 =	vld [tilespmem:$0x60];
	_ =	sdelay $0x4  }
0xae: {  	v62 =	vshll.u32 v3, $0x1  }
0xaf: {  	v3 =	vand.u32 $0x7, v3;
	v4 =	vand.u32 $0xFFFFFFF0, v62  }
0xb0: {  	v3 =	vor.u32 v3, v4  }
0xb1: {  	v4 =	vperm.xlane v3, v0;
	_ =	sdelay $0x1  }
0xb2: {  	v3 =	vperm.xlane v3, v2;
	v4 =	vadd.s32 v1, v4;
	_ =	sdelay $0x1  }
0xb3: {  	v3 =	vadd.s32 v1, v3;
	_ =	sdelay $0x2  }
0xb4: {  	[tilespmem:s22], [sflag:$0x1] =	stream.indirect_vreg.gather [hbm4b:s1+s3], $0x80, v4, vm0, $0xb8;
	[tilespmem:$0x8080] =	vst v63  }
0xb5: {  	_ = 	snop  }
0xb6: {  	[tilespmem:s23], [sflag:$0x1] =	stream.indirect_vreg.gather [hbm4b:s1+s3], $0x80, v3, vm0, $0xb8;
	[tilespmem:$0x8080] =	vst v63  }
0xb7: {  	v3 =	vld [tilespmem:$0x70];
	_ =	sdelay $0x4  }
0xb8: {  	v63 =	vshll.u32 v3, $0x1  }
0xb9: {  	v3 =	vand.u32 $0x7, v3;
	v4 =	vand.u32 $0xFFFFFFF0, v63  }
0xba: {  	v3 =	vor.u32 v3, v4  }
0xbb: {  	v4 =	vperm.xlane v3, v0;
	_ =	sdelay $0x1  }
0xbc: {  	v3 =	vperm.xlane v3, v2;
	v4 =	vadd.s32 v1, v4;
	_ =	sdelay $0x1  }
0xbd: {  	v3 =	vadd.s32 v1, v3;
	_ =	sdelay $0x2  }
0xbe: {  	[tilespmem:s24], [sflag:$0x1] =	stream.indirect_vreg.gather [hbm4b:s1+s3], $0x80, v4, vm0, $0xb8;
	[tilespmem:$0x8080] =	vst v63  }
0xbf: {  	_ = 	snop  }
0xc0: {  	[tilespmem:s25], [sflag:$0x1] =	stream.indirect_vreg.gather [hbm4b:s1+s3], $0x80, v3, vm0, $0xb8;
	[tilespmem:$0x8080] =	vst v63  }
0xc1: {  	_ =	swait.ge [sflag:s26], $0x8000  }
0xc2: {  	p0 =	sne.s32 s8, $0x1;
	[sflag:s26] =	ssyncset.done $0x0  }
.Ltmp0:
0xc3: {  	[sflag:s26] =	ssyncadd.s32 $0xFFFF8000;
	(pc) =	sbr.rel @p0 .LBB2_1-.Ltmp0, $4  }
0xc4: {  	[hbm4b:s7+s3] =	stream.linear.scatter [tilespmem:s10], [sflag:$0x2], $0x8000, $0x38;
	[tilespmem:$0x8080] =	vst v63  }
0xc5: {  	_ =	swait.ge [sflag:s9], $0x8000  }
0xc6: {  	[sflag:s9] =	ssyncset.done $0x0  }
0xc7: {  	s8 =	sadd.s32 $0xFFFFFFFF, s8;
	[sflag:s9] =	ssyncadd.s32 $0xFFFF8000  }
0xc8: {  	_ =	sfence.sel $0x180000  }
0xc9: {  	[bflag:$0x0] =	sbarrier.arrive $0xFFFF  }
0xca: {  	p0 =	sne.s32 s2, $0x0;
	_ =	strace $0x9000004A  }
0xcb: {  	s0 =	sadd.s32 @!p0 $0x100000, s0;
	[bflag:$0x2] =	sbarrier.arrive $0xFFFF  }
0xcc: {  	[sflag:s0] =	ssyncadd.tile.s32 @!p0 $0x1;
	_ =	shalt  }
.Lfunc_end2:
_tile_overlayer_lowered:
.L_overlay_start_2:
0xcd: {  	(tag) =	ssettag $0x2  }
0xce: {  	s0 =	rddreg [dreg:$0x0];
	s2 =	stileid.u32  }
0xcf: {  	s1 =	rddreg [dreg:$0x1];
	p0 =	sne.s32 s2, $0x0  }
0xd0: {  	s3 =	rddreg [dreg:$0x2];
	[bflag:$0x3] =	sbarrier.arrive $0xFFFF;
	s2 =	simm.s32 @!p0 $0x1C02  }
0xd1: {  	[timem:s3], [sflag:s2] =	dma.local @!p0 [hbm:s0], s1  }
0xd2: {  	s0 =	simm.s32 @!p0 $0x2  }
0xd3: {  	_ =	swait.ge @!p0 [sflag:s0], s1  }
0xd4: {  	s1 =	ssub.s32 @!p0 $0x0, s1;
	[sflag:s0] =	ssyncset.done @!p0 $0x0  }
0xd5: {  	[sflag:s0] =	ssyncadd.s32 @!p0 s1  }
0xd6: {  	[bflag:$0x3] =	sbarrier.arrive $0xFFFF  }
0xd7: {  	_ =	shalt  }

</sc_bundles>
